<compile_context>
chip_gen: v7x
topology: tpu7x:2x2x1
jax: 0.10.2.dev20260603
libtpu: 0.0.44.dev20260713+nightly
codegen_flags: <defaults>
</compile_context>

<pallas_src>
import jax
import jax.numpy as jnp
from jax import lax
from jax.experimental import pallas as pl
from jax.experimental.pallas import tpu as pltpu
from jax.experimental.pallas import tpu_sc as plsc

V = 100000
D = 200
S = 100
B = 4096
C = 2

NC = 2
NS = 16
NW = NC * NS
BW = B // NW
L = 16


def _mm_body(emb_ref, wr_ref, t_ref):
    t_ref[...] = jnp.dot(emb_ref[...], wr_ref[...],
                         preferred_element_type=jnp.float32
                         ).astype(jnp.bfloat16)


_MM_BLOCK = 2000


def _tc_table(emb, wr):
    return pl.pallas_call(
        _mm_body,
        grid=(V // _MM_BLOCK,),
        in_specs=[
            pl.BlockSpec((_MM_BLOCK, D), lambda i: (i, 0)),
            pl.BlockSpec((D, S * C), lambda i: (0, 0)),
        ],
        out_specs=pl.BlockSpec((_MM_BLOCK, S * C), lambda i: (i, 0)),
        out_shape=jax.ShapeDtypeStruct((V, S * C), jnp.bfloat16),
    )(emb, wr)


_K = 10


def _sc_body(t_hbm, idx_hbm, out_hbm, idx_v, rows_v, out_v, sem):
    wid = lax.axis_index("s") * NC + lax.axis_index("c")
    base = wid * BW
    pltpu.sync_copy(idx_hbm.at[:, pl.ds(base, BW)], idx_v)

    def chunk(k, _):
        s0 = k * _K
        for u in range(_K):
            pltpu.async_copy(t_hbm.at[idx_v.at[s0 + u]],
                             rows_v.at[pl.ds((s0 + u) * BW, BW)], sem)
        for u in range(_K):
            pltpu.make_async_copy(t_hbm.at[idx_v.at[s0 + u]],
                                  rows_v.at[pl.ds((s0 + u) * BW, BW)],
                                  sem).wait()
        return 0

    lax.fori_loop(0, S // _K, chunk, 0)

    nq = BW // L
    himask = jnp.full((L,), -65536, dtype=jnp.int32)

    def body(s, accs):
        a0, a1 = accs
        new0, new1 = [], []
        for q in range(nq):
            w = rows_v[pl.ds(s * BW + q * L, L)]
            lo = lax.bitcast_convert_type(w << 16, jnp.float32)
            hi = lax.bitcast_convert_type(w & himask, jnp.float32)
            new0.append(a0[q] + lo)
            new1.append(a1[q] + hi)
        return tuple(new0), tuple(new1)

    zeros = tuple(jnp.zeros((L,), jnp.float32) for _ in range(nq))
    acc0, acc1 = lax.fori_loop(0, S, body, (zeros, zeros))
    for q in range(nq):
        out_v[pl.ds(q * L, L)] = acc0[q]
        out_v[pl.ds(BW + q * L, L)] = acc1[q]
    pltpu.sync_copy(out_v.at[pl.ds(0, BW)], out_hbm.at[pl.ds(base, BW)])
    pltpu.sync_copy(out_v.at[pl.ds(BW, BW)], out_hbm.at[pl.ds(B + base, BW)])


def _sc_gather_reduce(t_flat, idx):
    k = pl.kernel(
        _sc_body,
        out_type=jax.ShapeDtypeStruct((C * B,), jnp.float32),
        mesh=plsc.VectorSubcoreMesh(core_axis_name="c", subcore_axis_name="s"),
        scratch_types=[
            pltpu.VMEM((S, BW), jnp.int32),
            pltpu.VMEM((S * BW,), jnp.int32),
            pltpu.VMEM((C * BW,), jnp.float32),
            pltpu.SemaphoreType.DMA,
        ],
    )
    return k(t_flat, idx)


def _lsm_body(x_ref, b_ref, o_ref):
    y = x_ref[...] + b_ref[...]
    m = jnp.max(y, axis=-1, keepdims=True)
    z = y - m
    o_ref[...] = z - jnp.log(jnp.sum(jnp.exp(z), axis=-1, keepdims=True))


def _tc_logsoftmax(logits, b2):
    return pl.pallas_call(
        _lsm_body,
        in_specs=[
            pl.BlockSpec((B, C), lambda: (0, 0)),
            pl.BlockSpec((1, C), lambda: (0, 0)),
        ],
        out_specs=pl.BlockSpec((B, C), lambda: (0, 0)),
        out_shape=jax.ShapeDtypeStruct((B, C), jnp.float32),
    )(logits, b2)


def kernel(input, emb, W, b):
    wr = W.reshape(S, D, C).transpose(1, 0, 2).reshape(D, S * C)
    idx = (input * S + lax.broadcasted_iota(jnp.int32, (1, S), 1)).T
    t = _tc_table(emb, wr)
    t_packed = lax.bitcast_convert_type(
        t.reshape(V, S, C), jnp.int32).reshape(V * S)
    logits = _sc_gather_reduce(t_packed, idx)
    logits = logits.reshape(C, B).T
    return _tc_logsoftmax(logits, b.reshape(1, C))

# --- scband reference (transcript-rebuilt; emitter-appended) ---
"""Pipeline reference for scband-imdb-model-23974507446872 (READ-ONLY COPY).

The authoritative reference and input builder live on the scoring server;
editing this copy changes nothing except your own understanding.
"""

import jax, jax.numpy as jnp
import numpy as np

VOCAB = 100000
EMB_DIM = 200
SEQ_LEN = 100
BATCH = 4096
PAD_IDX = 0


def setup_inputs(seed: int = 0) -> dict:
    key = jax.random.key(seed)
    k1, k2, k3 = jax.random.split(key, 3)
    inp = jax.random.randint(k1, (BATCH, SEQ_LEN), 0, VOCAB, dtype=jnp.int32)
    emb = jax.random.normal(k2, (VOCAB, EMB_DIM), dtype=jnp.float32)
    emb = emb.at[PAD_IDX].set(0.0)  # nn.Embedding padding_idx row is zeros
    fan_in = SEQ_LEN * EMB_DIM
    bound = 1.0 / np.sqrt(fan_in)
    W = jax.random.uniform(k3, (fan_in, 2), dtype=jnp.float32, minval=-bound, maxval=bound)
    b = jnp.zeros((2,), dtype=jnp.float32)
    return {"input": inp, "emb": emb, "W": W, "b": b}


def reference(input, emb, W, b):
    # input: int[batch, seq_len]
    input_embeded = jnp.take(emb, input, axis=0)              # [B, S, D] gather (SparseCore-friendly)
    input_embeded_viewed = input_embeded.reshape(input_embeded.shape[0], -1)  # [B, S*D]
    out = input_embeded_viewed @ W + b                         # [B, 2]
    return jax.nn.log_softmax(out, axis=-1)

if __name__ == "__main__":
    import jax
    _d = setup_inputs()
    print(jax.jit(kernel)(*tuple(_d.values())))

</pallas_src>

<mosaic_0001>
#map = affine_map<(d0, d1) -> (0)>
#map1 = affine_map<(d0, d1) -> (0, 0)>
module attributes {stable_mosaic.version = 14 : i64} {
  func.func @_sc_body(%arg0: i32, %arg1: i32, %arg2: memref<10000000xi32, #tpu.memory_space<hbm>>, %arg3: memref<100x4096xi32, #tpu.memory_space<hbm>>, %arg4: memref<8192xf32, #tpu.memory_space<hbm>>, %arg5: memref<100x128xi32, #tpu.memory_space<vmem>>, %arg6: memref<12800xi32, #tpu.memory_space<vmem>>, %arg7: memref<256xf32, #tpu.memory_space<vmem>>, %arg8: memref<!tpu.dma_semaphore, #tpu.memory_space<semaphore_mem>>) attributes {dimension_semantics = [#tpu.dimension_semantics<core_parallel>, #tpu.dimension_semantics<subcore_parallel>], iteration_bounds = array<i64: 2, 16>, scalar_prefetch = 0 : i64, scratch_operands = 4 : i64, tpu.core_type = #tpu.core_type<sc_vector_subcore>, window_params = [{transform_indices = #map}, {transform_indices = #map1}, {transform_indices = #map}]} {
    %mul3A = arith.constant 2 : i32
    %mul3A_0 = arith.muli %arg1, %mul3A : i32
    %add3A = arith.addi %mul3A_0, %arg0 : i32
    %mul3A_1 = arith.constant 128 : i32
    %mul3A_2 = arith.muli %add3A, %mul3A_1 : i32
    "tpu.region"() ({
      %run_scoped3A = tpu.sem_alloc : memref<!tpu.dma_semaphore, #tpu.memory_space<semaphore_mem>>
      %dma_start3A = arith.constant 0 : i32
      %dma_start3A_97 = tpu.memref_slice %arg3[%dma_start3A, %mul3A_2] : memref<100x4096xi32, #tpu.memory_space<hbm>> -> memref<100x128xi32, #tpu.memory_space<hbm>>
      %dma_start3A_98 = arith.constant 0 : i32
      %dma_start3A_99 = tpu.memref_slice %arg3[%dma_start3A_98, %mul3A_2] : memref<100x4096xi32, #tpu.memory_space<hbm>> -> memref<100x128xi32, #tpu.memory_space<hbm>>
      tpu.enqueue_dma source(%dma_start3A_99 : memref<100x128xi32, #tpu.memory_space<hbm>>) target(%arg5 : memref<100x128xi32, #tpu.memory_space<vmem>>) target_semaphore(%run_scoped3A : memref<!tpu.dma_semaphore, #tpu.memory_space<semaphore_mem>>)
      %dma_wait3A = arith.constant 0 : i32
      %dma_wait3A_100 = tpu.memref_slice %arg3[%dma_wait3A, %mul3A_2] : memref<100x4096xi32, #tpu.memory_space<hbm>> -> memref<100x128xi32, #tpu.memory_space<hbm>>
      %dma_wait3A_101 = arith.constant 0 : i32
      %dma_wait3A_102 = tpu.memref_slice %arg3[%dma_wait3A_101, %mul3A_2] : memref<100x4096xi32, #tpu.memory_space<hbm>> -> memref<100x128xi32, #tpu.memory_space<hbm>>
      tpu.wait_dma2 semaphore(%run_scoped3A : memref<!tpu.dma_semaphore, #tpu.memory_space<semaphore_mem>>) src(%dma_wait3A_102 : memref<100x128xi32, #tpu.memory_space<hbm>>) dst(%arg5 : memref<100x128xi32, #tpu.memory_space<vmem>>)
      tpu.yield
    }) : () -> ()
    %scan3A = arith.constant 0 : i32
    %scan3A_3 = arith.constant 0 : i32
    %scan3A_4 = arith.constant 10 : i32
    %scan3A_5 = arith.addi %scan3A_3, %scan3A_4 : i32
    %scan3A_6 = arith.constant 1 : i32
    %scan3A_7 = scf.for %scan3A_97 = %scan3A_3 to %scan3A_5 step %scan3A_6 iter_args(%scan3A_98 = %scan3A) -> (i32)  : i32 {
      %mul3A_99 = arith.constant 10 : i32
      %mul3A_100 = arith.muli %scan3A_97, %mul3A_99 : i32
      %add3A_101 = arith.constant 0 : i32
      %add3A_102 = arith.addi %mul3A_100, %add3A_101 : i32
      %add3A_103 = arith.constant 0 : i32
      %add3A_104 = arith.addi %mul3A_100, %add3A_103 : i32
      %mul3A_105 = arith.constant 128 : i32
      %mul3A_106 = arith.muli %add3A_104, %mul3A_105 : i32
      %dma_start3A = tpu.memref_slice %arg6[%mul3A_106] : memref<12800xi32, #tpu.memory_space<vmem>> -> memref<128xi32, #tpu.memory_space<vmem>>
      %dma_start3A_107 = arith.constant 0 : i32
      %dma_start3A_108 = tpu.memref_slice %arg5[%add3A_102, %dma_start3A_107] : memref<100x128xi32, #tpu.memory_space<vmem>> -> memref<1x128xi32, #tpu.memory_space<vmem>>
      %dma_start3A_109 = tpu.memref_squeeze %dma_start3A_108 : memref<1x128xi32, #tpu.memory_space<vmem>> -> memref<128xi32, #tpu.memory_space<vmem>>
      %dma_start3A_110 = arith.constant 0 : i32
      %dma_start3A_111 = tpu.memref_slice %arg2[%dma_start3A_110] : memref<10000000xi32, #tpu.memory_space<hbm>> -> memref<10000000xi32, #tpu.memory_space<hbm>>
      tpu.enqueue_indirect_dma source(%dma_start3A_111 : memref<10000000xi32, #tpu.memory_space<hbm>>) target(%dma_start3A : memref<128xi32, #tpu.memory_space<vmem>>) offsets(%dma_start3A_109 : memref<128xi32, #tpu.memory_space<vmem>>) semaphore(%arg8 : memref<!tpu.dma_semaphore, #tpu.memory_space<semaphore_mem>>)
      %add3A_112 = arith.constant 1 : i32
      %add3A_113 = arith.addi %mul3A_100, %add3A_112 : i32
      %add3A_114 = arith.constant 1 : i32
      %add3A_115 = arith.addi %mul3A_100, %add3A_114 : i32
      %mul3A_116 = arith.constant 128 : i32
      %mul3A_117 = arith.muli %add3A_115, %mul3A_116 : i32
      %dma_start3A_118 = tpu.memref_slice %arg6[%mul3A_117] : memref<12800xi32, #tpu.memory_space<vmem>> -> memref<128xi32, #tpu.memory_space<vmem>>
      %dma_start3A_119 = arith.constant 0 : i32
      %dma_start3A_120 = tpu.memref_slice %arg5[%add3A_113, %dma_start3A_119] : memref<100x128xi32, #tpu.memory_space<vmem>> -> memref<1x128xi32, #tpu.memory_space<vmem>>
      %dma_start3A_121 = tpu.memref_squeeze %dma_start3A_120 : memref<1x128xi32, #tpu.memory_space<vmem>> -> memref<128xi32, #tpu.memory_space<vmem>>
      %dma_start3A_122 = arith.constant 0 : i32
      %dma_start3A_123 = tpu.memref_slice %arg2[%dma_start3A_122] : memref<10000000xi32, #tpu.memory_space<hbm>> -> memref<10000000xi32, #tpu.memory_space<hbm>>
      tpu.enqueue_indirect_dma source(%dma_start3A_123 : memref<10000000xi32, #tpu.memory_space<hbm>>) target(%dma_start3A_118 : memref<128xi32, #tpu.memory_space<vmem>>) offsets(%dma_start3A_121 : memref<128xi32, #tpu.memory_space<vmem>>) semaphore(%arg8 : memref<!tpu.dma_semaphore, #tpu.memory_space<semaphore_mem>>)
      %add3A_124 = arith.constant 2 : i32
      %add3A_125 = arith.addi %mul3A_100, %add3A_124 : i32
      %add3A_126 = arith.constant 2 : i32
      %add3A_127 = arith.addi %mul3A_100, %add3A_126 : i32
      %mul3A_128 = arith.constant 128 : i32
      %mul3A_129 = arith.muli %add3A_127, %mul3A_128 : i32
      %dma_start3A_130 = tpu.memref_slice %arg6[%mul3A_129] : memref<12800xi32, #tpu.memory_space<vmem>> -> memref<128xi32, #tpu.memory_space<vmem>>
      %dma_start3A_131 = arith.constant 0 : i32
      %dma_start3A_132 = tpu.memref_slice %arg5[%add3A_125, %dma_start3A_131] : memref<100x128xi32, #tpu.memory_space<vmem>> -> memref<1x128xi32, #tpu.memory_space<vmem>>
      %dma_start3A_133 = tpu.memref_squeeze %dma_start3A_132 : memref<1x128xi32, #tpu.memory_space<vmem>> -> memref<128xi32, #tpu.memory_space<vmem>>
      %dma_start3A_134 = arith.constant 0 : i32
      %dma_start3A_135 = tpu.memref_slice %arg2[%dma_start3A_134] : memref<10000000xi32, #tpu.memory_space<hbm>> -> memref<10000000xi32, #tpu.memory_space<hbm>>
      tpu.enqueue_indirect_dma source(%dma_start3A_135 : memref<10000000xi32, #tpu.memory_space<hbm>>) target(%dma_start3A_130 : memref<128xi32, #tpu.memory_space<vmem>>) offsets(%dma_start3A_133 : memref<128xi32, #tpu.memory_space<vmem>>) semaphore(%arg8 : memref<!tpu.dma_semaphore, #tpu.memory_space<semaphore_mem>>)
      %add3A_136 = arith.constant 3 : i32
      %add3A_137 = arith.addi %mul3A_100, %add3A_136 : i32
      %add3A_138 = arith.constant 3 : i32
      %add3A_139 = arith.addi %mul3A_100, %add3A_138 : i32
      %mul3A_140 = arith.constant 128 : i32
      %mul3A_141 = arith.muli %add3A_139, %mul3A_140 : i32
      %dma_start3A_142 = tpu.memref_slice %arg6[%mul3A_141] : memref<12800xi32, #tpu.memory_space<vmem>> -> memref<128xi32, #tpu.memory_space<vmem>>
      %dma_start3A_143 = arith.constant 0 : i32
      %dma_start3A_144 = tpu.memref_slice %arg5[%add3A_137, %dma_start3A_143] : memref<100x128xi32, #tpu.memory_space<vmem>> -> memref<1x128xi32, #tpu.memory_space<vmem>>
      %dma_start3A_145 = tpu.memref_squeeze %dma_start3A_144 : memref<1x128xi32, #tpu.memory_space<vmem>> -> memref<128xi32, #tpu.memory_space<vmem>>
      %dma_start3A_146 = arith.constant 0 : i32
      %dma_start3A_147 = tpu.memref_slice %arg2[%dma_start3A_146] : memref<10000000xi32, #tpu.memory_space<hbm>> -> memref<10000000xi32, #tpu.memory_space<hbm>>
      tpu.enqueue_indirect_dma source(%dma_start3A_147 : memref<10000000xi32, #tpu.memory_space<hbm>>) target(%dma_start3A_142 : memref<128xi32, #tpu.memory_space<vmem>>) offsets(%dma_start3A_145 : memref<128xi32, #tpu.memory_space<vmem>>) semaphore(%arg8 : memref<!tpu.dma_semaphore, #tpu.memory_space<semaphore_mem>>)
      %add3A_148 = arith.constant 4 : i32
      %add3A_149 = arith.addi %mul3A_100, %add3A_148 : i32
      %add3A_150 = arith.constant 4 : i32
      %add3A_151 = arith.addi %mul3A_100, %add3A_150 : i32
      %mul3A_152 = arith.constant 128 : i32
      %mul3A_153 = arith.muli %add3A_151, %mul3A_152 : i32
      %dma_start3A_154 = tpu.memref_slice %arg6[%mul3A_153] : memref<12800xi32, #tpu.memory_space<vmem>> -> memref<128xi32, #tpu.memory_space<vmem>>
      %dma_start3A_155 = arith.constant 0 : i32
      %dma_start3A_156 = tpu.memref_slice %arg5[%add3A_149, %dma_start3A_155] : memref<100x128xi32, #tpu.memory_space<vmem>> -> memref<1x128xi32, #tpu.memory_space<vmem>>
      %dma_start3A_157 = tpu.memref_squeeze %dma_start3A_156 : memref<1x128xi32, #tpu.memory_space<vmem>> -> memref<128xi32, #tpu.memory_space<vmem>>
      %dma_start3A_158 = arith.constant 0 : i32
      %dma_start3A_159 = tpu.memref_slice %arg2[%dma_start3A_158] : memref<10000000xi32, #tpu.memory_space<hbm>> -> memref<10000000xi32, #tpu.memory_space<hbm>>
      tpu.enqueue_indirect_dma source(%dma_start3A_159 : memref<10000000xi32, #tpu.memory_space<hbm>>) target(%dma_start3A_154 : memref<128xi32, #tpu.memory_space<vmem>>) offsets(%dma_start3A_157 : memref<128xi32, #tpu.memory_space<vmem>>) semaphore(%arg8 : memref<!tpu.dma_semaphore, #tpu.memory_space<semaphore_mem>>)
      %add3A_160 = arith.constant 5 : i32
      %add3A_161 = arith.addi %mul3A_100, %add3A_160 : i32
      %add3A_162 = arith.constant 5 : i32
      %add3A_163 = arith.addi %mul3A_100, %add3A_162 : i32
      %mul3A_164 = arith.constant 128 : i32
      %mul3A_165 = arith.muli %add3A_163, %mul3A_164 : i32
      %dma_start3A_166 = tpu.memref_slice %arg6[%mul3A_165] : memref<12800xi32, #tpu.memory_space<vmem>> -> memref<128xi32, #tpu.memory_space<vmem>>
      %dma_start3A_167 = arith.constant 0 : i32
      %dma_start3A_168 = tpu.memref_slice %arg5[%add3A_161, %dma_start3A_167] : memref<100x128xi32, #tpu.memory_space<vmem>> -> memref<1x128xi32, #tpu.memory_space<vmem>>
      %dma_start3A_169 = tpu.memref_squeeze %dma_start3A_168 : memref<1x128xi32, #tpu.memory_space<vmem>> -> memref<128xi32, #tpu.memory_space<vmem>>
      %dma_start3A_170 = arith.constant 0 : i32
      %dma_start3A_171 = tpu.memref_slice %arg2[%dma_start3A_170] : memref<10000000xi32, #tpu.memory_space<hbm>> -> memref<10000000xi32, #tpu.memory_space<hbm>>
      tpu.enqueue_indirect_dma source(%dma_start3A_171 : memref<10000000xi32, #tpu.memory_space<hbm>>) target(%dma_start3A_166 : memref<128xi32, #tpu.memory_space<vmem>>) offsets(%dma_start3A_169 : memref<128xi32, #tpu.memory_space<vmem>>) semaphore(%arg8 : memref<!tpu.dma_semaphore, #tpu.memory_space<semaphore_mem>>)
      %add3A_172 = arith.constant 6 : i32
      %add3A_173 = arith.addi %mul3A_100, %add3A_172 : i32
      %add3A_174 = arith.constant 6 : i32
      %add3A_175 = arith.addi %mul3A_100, %add3A_174 : i32
      %mul3A_176 = arith.constant 128 : i32
      %mul3A_177 = arith.muli %add3A_175, %mul3A_176 : i32
      %dma_start3A_178 = tpu.memref_slice %arg6[%mul3A_177] : memref<12800xi32, #tpu.memory_space<vmem>> -> memref<128xi32, #tpu.memory_space<vmem>>
      %dma_start3A_179 = arith.constant 0 : i32
      %dma_start3A_180 = tpu.memref_slice %arg5[%add3A_173, %dma_start3A_179] : memref<100x128xi32, #tpu.memory_space<vmem>> -> memref<1x128xi32, #tpu.memory_space<vmem>>
      %dma_start3A_181 = tpu.memref_squeeze %dma_start3A_180 : memref<1x128xi32, #tpu.memory_space<vmem>> -> memref<128xi32, #tpu.memory_space<vmem>>
      %dma_start3A_182 = arith.constant 0 : i32
      %dma_start3A_183 = tpu.memref_slice %arg2[%dma_start3A_182] : memref<10000000xi32, #tpu.memory_space<hbm>> -> memref<10000000xi32, #tpu.memory_space<hbm>>
      tpu.enqueue_indirect_dma source(%dma_start3A_183 : memref<10000000xi32, #tpu.memory_space<hbm>>) target(%dma_start3A_178 : memref<128xi32, #tpu.memory_space<vmem>>) offsets(%dma_start3A_181 : memref<128xi32, #tpu.memory_space<vmem>>) semaphore(%arg8 : memref<!tpu.dma_semaphore, #tpu.memory_space<semaphore_mem>>)
      %add3A_184 = arith.constant 7 : i32
      %add3A_185 = arith.addi %mul3A_100, %add3A_184 : i32
      %add3A_186 = arith.constant 7 : i32
      %add3A_187 = arith.addi %mul3A_100, %add3A_186 : i32
      %mul3A_188 = arith.constant 128 : i32
      %mul3A_189 = arith.muli %add3A_187, %mul3A_188 : i32
      %dma_start3A_190 = tpu.memref_slice %arg6[%mul3A_189] : memref<12800xi32, #tpu.memory_space<vmem>> -> memref<128xi32, #tpu.memory_space<vmem>>
      %dma_start3A_191 = arith.constant 0 : i32
      %dma_start3A_192 = tpu.memref_slice %arg5[%add3A_185, %dma_start3A_191] : memref<100x128xi32, #tpu.memory_space<vmem>> -> memref<1x128xi32, #tpu.memory_space<vmem>>
      %dma_start3A_193 = tpu.memref_squeeze %dma_start3A_192 : memref<1x128xi32, #tpu.memory_space<vmem>> -> memref<128xi32, #tpu.memory_space<vmem>>
      %dma_start3A_194 = arith.constant 0 : i32
      %dma_start3A_195 = tpu.memref_slice %arg2[%dma_start3A_194] : memref<10000000xi32, #tpu.memory_space<hbm>> -> memref<10000000xi32, #tpu.memory_space<hbm>>
      tpu.enqueue_indirect_dma source(%dma_start3A_195 : memref<10000000xi32, #tpu.memory_space<hbm>>) target(%dma_start3A_190 : memref<128xi32, #tpu.memory_space<vmem>>) offsets(%dma_start3A_193 : memref<128xi32, #tpu.memory_space<vmem>>) semaphore(%arg8 : memref<!tpu.dma_semaphore, #tpu.memory_space<semaphore_mem>>)
      %add3A_196 = arith.constant 8 : i32
      %add3A_197 = arith.addi %mul3A_100, %add3A_196 : i32
      %add3A_198 = arith.constant 8 : i32
      %add3A_199 = arith.addi %mul3A_100, %add3A_198 : i32
      %mul3A_200 = arith.constant 128 : i32
      %mul3A_201 = arith.muli %add3A_199, %mul3A_200 : i32
      %dma_start3A_202 = tpu.memref_slice %arg6[%mul3A_201] : memref<12800xi32, #tpu.memory_space<vmem>> -> memref<128xi32, #tpu.memory_space<vmem>>
      %dma_start3A_203 = arith.constant 0 : i32
      %dma_start3A_204 = tpu.memref_slice %arg5[%add3A_197, %dma_start3A_203] : memref<100x128xi32, #tpu.memory_space<vmem>> -> memref<1x128xi32, #tpu.memory_space<vmem>>
      %dma_start3A_205 = tpu.memref_squeeze %dma_start3A_204 : memref<1x128xi32, #tpu.memory_space<vmem>> -> memref<128xi32, #tpu.memory_space<vmem>>
      %dma_start3A_206 = arith.constant 0 : i32
      %dma_start3A_207 = tpu.memref_slice %arg2[%dma_start3A_206] : memref<10000000xi32, #tpu.memory_space<hbm>> -> memref<10000000xi32, #tpu.memory_space<hbm>>
      tpu.enqueue_indirect_dma source(%dma_start3A_207 : memref<10000000xi32, #tpu.memory_space<hbm>>) target(%dma_start3A_202 : memref<128xi32, #tpu.memory_space<vmem>>) offsets(%dma_start3A_205 : memref<128xi32, #tpu.memory_space<vmem>>) semaphore(%arg8 : memref<!tpu.dma_semaphore, #tpu.memory_space<semaphore_mem>>)
      %add3A_208 = arith.constant 9 : i32
      %add3A_209 = arith.addi %mul3A_100, %add3A_208 : i32
      %add3A_210 = arith.constant 9 : i32
      %add3A_211 = arith.addi %mul3A_100, %add3A_210 : i32
      %mul3A_212 = arith.constant 128 : i32
      %mul3A_213 = arith.muli %add3A_211, %mul3A_212 : i32
      %dma_start3A_214 = tpu.memref_slice %arg6[%mul3A_213] : memref<12800xi32, #tpu.memory_space<vmem>> -> memref<128xi32, #tpu.memory_space<vmem>>
      %dma_start3A_215 = arith.constant 0 : i32
      %dma_start3A_216 = tpu.memref_slice %arg5[%add3A_209, %dma_start3A_215] : memref<100x128xi32, #tpu.memory_space<vmem>> -> memref<1x128xi32, #tpu.memory_space<vmem>>
      %dma_start3A_217 = tpu.memref_squeeze %dma_start3A_216 : memref<1x128xi32, #tpu.memory_space<vmem>> -> memref<128xi32, #tpu.memory_space<vmem>>
      %dma_start3A_218 = arith.constant 0 : i32
      %dma_start3A_219 = tpu.memref_slice %arg2[%dma_start3A_218] : memref<10000000xi32, #tpu.memory_space<hbm>> -> memref<10000000xi32, #tpu.memory_space<hbm>>
      tpu.enqueue_indirect_dma source(%dma_start3A_219 : memref<10000000xi32, #tpu.memory_space<hbm>>) target(%dma_start3A_214 : memref<128xi32, #tpu.memory_space<vmem>>) offsets(%dma_start3A_217 : memref<128xi32, #tpu.memory_space<vmem>>) semaphore(%arg8 : memref<!tpu.dma_semaphore, #tpu.memory_space<semaphore_mem>>)
      %add3A_220 = arith.constant 0 : i32
      %add3A_221 = arith.addi %mul3A_100, %add3A_220 : i32
      %add3A_222 = arith.constant 0 : i32
      %add3A_223 = arith.addi %mul3A_100, %add3A_222 : i32
      %mul3A_224 = arith.constant 128 : i32
      %mul3A_225 = arith.muli %add3A_223, %mul3A_224 : i32
      %dma_wait3A = tpu.memref_slice %arg6[%mul3A_225] : memref<12800xi32, #tpu.memory_space<vmem>> -> memref<128xi32, #tpu.memory_space<vmem>>
      %dma_wait3A_226 = arith.constant 0 : i32
      %dma_wait3A_227 = tpu.memref_slice %arg5[%add3A_221, %dma_wait3A_226] : memref<100x128xi32, #tpu.memory_space<vmem>> -> memref<1x128xi32, #tpu.memory_space<vmem>>
      %dma_wait3A_228 = tpu.memref_squeeze %dma_wait3A_227 : memref<1x128xi32, #tpu.memory_space<vmem>> -> memref<128xi32, #tpu.memory_space<vmem>>
      %dma_wait3A_229 = arith.constant 0 : i32
      %dma_wait3A_230 = tpu.memref_slice %arg2[%dma_wait3A_229] : memref<10000000xi32, #tpu.memory_space<hbm>> -> memref<10000000xi32, #tpu.memory_space<hbm>>
      tpu.wait_indirect_dma semaphore(%arg8 : memref<!tpu.dma_semaphore, #tpu.memory_space<semaphore_mem>>) src(%dma_wait3A_230 : memref<10000000xi32, #tpu.memory_space<hbm>>) dst(%dma_wait3A : memref<128xi32, #tpu.memory_space<vmem>>)
      %add3A_231 = arith.constant 1 : i32
      %add3A_232 = arith.addi %mul3A_100, %add3A_231 : i32
      %add3A_233 = arith.constant 1 : i32
      %add3A_234 = arith.addi %mul3A_100, %add3A_233 : i32
      %mul3A_235 = arith.constant 128 : i32
      %mul3A_236 = arith.muli %add3A_234, %mul3A_235 : i32
      %dma_wait3A_237 = tpu.memref_slice %arg6[%mul3A_236] : memref<12800xi32, #tpu.memory_space<vmem>> -> memref<128xi32, #tpu.memory_space<vmem>>
      %dma_wait3A_238 = arith.constant 0 : i32
      %dma_wait3A_239 = tpu.memref_slice %arg5[%add3A_232, %dma_wait3A_238] : memref<100x128xi32, #tpu.memory_space<vmem>> -> memref<1x128xi32, #tpu.memory_space<vmem>>
      %dma_wait3A_240 = tpu.memref_squeeze %dma_wait3A_239 : memref<1x128xi32, #tpu.memory_space<vmem>> -> memref<128xi32, #tpu.memory_space<vmem>>
      %dma_wait3A_241 = arith.constant 0 : i32
      %dma_wait3A_242 = tpu.memref_slice %arg2[%dma_wait3A_241] : memref<10000000xi32, #tpu.memory_space<hbm>> -> memref<10000000xi32, #tpu.memory_space<hbm>>
      tpu.wait_indirect_dma semaphore(%arg8 : memref<!tpu.dma_semaphore, #tpu.memory_space<semaphore_mem>>) src(%dma_wait3A_242 : memref<10000000xi32, #tpu.memory_space<hbm>>) dst(%dma_wait3A_237 : memref<128xi32, #tpu.memory_space<vmem>>)
      %add3A_243 = arith.constant 2 : i32
      %add3A_244 = arith.addi %mul3A_100, %add3A_243 : i32
      %add3A_245 = arith.constant 2 : i32
      %add3A_246 = arith.addi %mul3A_100, %add3A_245 : i32
      %mul3A_247 = arith.constant 128 : i32
      %mul3A_248 = arith.muli %add3A_246, %mul3A_247 : i32
      %dma_wait3A_249 = tpu.memref_slice %arg6[%mul3A_248] : memref<12800xi32, #tpu.memory_space<vmem>> -> memref<128xi32, #tpu.memory_space<vmem>>
      %dma_wait3A_250 = arith.constant 0 : i32
      %dma_wait3A_251 = tpu.memref_slice %arg5[%add3A_244, %dma_wait3A_250] : memref<100x128xi32, #tpu.memory_space<vmem>> -> memref<1x128xi32, #tpu.memory_space<vmem>>
      %dma_wait3A_252 = tpu.memref_squeeze %dma_wait3A_251 : memref<1x128xi32, #tpu.memory_space<vmem>> -> memref<128xi32, #tpu.memory_space<vmem>>
      %dma_wait3A_253 = arith.constant 0 : i32
      %dma_wait3A_254 = tpu.memref_slice %arg2[%dma_wait3A_253] : memref<10000000xi32, #tpu.memory_space<hbm>> -> memref<10000000xi32, #tpu.memory_space<hbm>>
      tpu.wait_indirect_dma semaphore(%arg8 : memref<!tpu.dma_semaphore, #tpu.memory_space<semaphore_mem>>) src(%dma_wait3A_254 : memref<10000000xi32, #tpu.memory_space<hbm>>) dst(%dma_wait3A_249 : memref<128xi32, #tpu.memory_space<vmem>>)
      %add3A_255 = arith.constant 3 : i32
      %add3A_256 = arith.addi %mul3A_100, %add3A_255 : i32
      %add3A_257 = arith.constant 3 : i32
      %add3A_258 = arith.addi %mul3A_100, %add3A_257 : i32
      %mul3A_259 = arith.constant 128 : i32
      %mul3A_260 = arith.muli %add3A_258, %mul3A_259 : i32
      %dma_wait3A_261 = tpu.memref_slice %arg6[%mul3A_260] : memref<12800xi32, #tpu.memory_space<vmem>> -> memref<128xi32, #tpu.memory_space<vmem>>
      %dma_wait3A_262 = arith.constant 0 : i32
      %dma_wait3A_263 = tpu.memref_slice %arg5[%add3A_256, %dma_wait3A_262] : memref<100x128xi32, #tpu.memory_space<vmem>> -> memref<1x128xi32, #tpu.memory_space<vmem>>
      %dma_wait3A_264 = tpu.memref_squeeze %dma_wait3A_263 : memref<1x128xi32, #tpu.memory_space<vmem>> -> memref<128xi32, #tpu.memory_space<vmem>>
      %dma_wait3A_265 = arith.constant 0 : i32
      %dma_wait3A_266 = tpu.memref_slice %arg2[%dma_wait3A_265] : memref<10000000xi32, #tpu.memory_space<hbm>> -> memref<10000000xi32, #tpu.memory_space<hbm>>
      tpu.wait_indirect_dma semaphore(%arg8 : memref<!tpu.dma_semaphore, #tpu.memory_space<semaphore_mem>>) src(%dma_wait3A_266 : memref<10000000xi32, #tpu.memory_space<hbm>>) dst(%dma_wait3A_261 : memref<128xi32, #tpu.memory_space<vmem>>)
      %add3A_267 = arith.constant 4 : i32
      %add3A_268 = arith.addi %mul3A_100, %add3A_267 : i32
      %add3A_269 = arith.constant 4 : i32
      %add3A_270 = arith.addi %mul3A_100, %add3A_269 : i32
      %mul3A_271 = arith.constant 128 : i32
      %mul3A_272 = arith.muli %add3A_270, %mul3A_271 : i32
      %dma_wait3A_273 = tpu.memref_slice %arg6[%mul3A_272] : memref<12800xi32, #tpu.memory_space<vmem>> -> memref<128xi32, #tpu.memory_space<vmem>>
      %dma_wait3A_274 = arith.constant 0 : i32
      %dma_wait3A_275 = tpu.memref_slice %arg5[%add3A_268, %dma_wait3A_274] : memref<100x128xi32, #tpu.memory_space<vmem>> -> memref<1x128xi32, #tpu.memory_space<vmem>>
      %dma_wait3A_276 = tpu.memref_squeeze %dma_wait3A_275 : memref<1x128xi32, #tpu.memory_space<vmem>> -> memref<128xi32, #tpu.memory_space<vmem>>
      %dma_wait3A_277 = arith.constant 0 : i32
      %dma_wait3A_278 = tpu.memref_slice %arg2[%dma_wait3A_277] : memref<10000000xi32, #tpu.memory_space<hbm>> -> memref<10000000xi32, #tpu.memory_space<hbm>>
      tpu.wait_indirect_dma semaphore(%arg8 : memref<!tpu.dma_semaphore, #tpu.memory_space<semaphore_mem>>) src(%dma_wait3A_278 : memref<10000000xi32, #tpu.memory_space<hbm>>) dst(%dma_wait3A_273 : memref<128xi32, #tpu.memory_space<vmem>>)
      %add3A_279 = arith.constant 5 : i32
      %add3A_280 = arith.addi %mul3A_100, %add3A_279 : i32
      %add3A_281 = arith.constant 5 : i32
      %add3A_282 = arith.addi %mul3A_100, %add3A_281 : i32
      %mul3A_283 = arith.constant 128 : i32
      %mul3A_284 = arith.muli %add3A_282, %mul3A_283 : i32
      %dma_wait3A_285 = tpu.memref_slice %arg6[%mul3A_284] : memref<12800xi32, #tpu.memory_space<vmem>> -> memref<128xi32, #tpu.memory_space<vmem>>
      %dma_wait3A_286 = arith.constant 0 : i32
      %dma_wait3A_287 = tpu.memref_slice %arg5[%add3A_280, %dma_wait3A_286] : memref<100x128xi32, #tpu.memory_space<vmem>> -> memref<1x128xi32, #tpu.memory_space<vmem>>
      %dma_wait3A_288 = tpu.memref_squeeze %dma_wait3A_287 : memref<1x128xi32, #tpu.memory_space<vmem>> -> memref<128xi32, #tpu.memory_space<vmem>>
      %dma_wait3A_289 = arith.constant 0 : i32
      %dma_wait3A_290 = tpu.memref_slice %arg2[%dma_wait3A_289] : memref<10000000xi32, #tpu.memory_space<hbm>> -> memref<10000000xi32, #tpu.memory_space<hbm>>
      tpu.wait_indirect_dma semaphore(%arg8 : memref<!tpu.dma_semaphore, #tpu.memory_space<semaphore_mem>>) src(%dma_wait3A_290 : memref<10000000xi32, #tpu.memory_space<hbm>>) dst(%dma_wait3A_285 : memref<128xi32, #tpu.memory_space<vmem>>)
      %add3A_291 = arith.constant 6 : i32
      %add3A_292 = arith.addi %mul3A_100, %add3A_291 : i32
      %add3A_293 = arith.constant 6 : i32
      %add3A_294 = arith.addi %mul3A_100, %add3A_293 : i32
      %mul3A_295 = arith.constant 128 : i32
      %mul3A_296 = arith.muli %add3A_294, %mul3A_295 : i32
      %dma_wait3A_297 = tpu.memref_slice %arg6[%mul3A_296] : memref<12800xi32, #tpu.memory_space<vmem>> -> memref<128xi32, #tpu.memory_space<vmem>>
      %dma_wait3A_298 = arith.constant 0 : i32
      %dma_wait3A_299 = tpu.memref_slice %arg5[%add3A_292, %dma_wait3A_298] : memref<100x128xi32, #tpu.memory_space<vmem>> -> memref<1x128xi32, #tpu.memory_space<vmem>>
      %dma_wait3A_300 = tpu.memref_squeeze %dma_wait3A_299 : memref<1x128xi32, #tpu.memory_space<vmem>> -> memref<128xi32, #tpu.memory_space<vmem>>
      %dma_wait3A_301 = arith.constant 0 : i32
      %dma_wait3A_302 = tpu.memref_slice %arg2[%dma_wait3A_301] : memref<10000000xi32, #tpu.memory_space<hbm>> -> memref<10000000xi32, #tpu.memory_space<hbm>>
      tpu.wait_indirect_dma semaphore(%arg8 : memref<!tpu.dma_semaphore, #tpu.memory_space<semaphore_mem>>) src(%dma_wait3A_302 : memref<10000000xi32, #tpu.memory_space<hbm>>) dst(%dma_wait3A_297 : memref<128xi32, #tpu.memory_space<vmem>>)
      %add3A_303 = arith.constant 7 : i32
      %add3A_304 = arith.addi %mul3A_100, %add3A_303 : i32
      %add3A_305 = arith.constant 7 : i32
      %add3A_306 = arith.addi %mul3A_100, %add3A_305 : i32
      %mul3A_307 = arith.constant 128 : i32
      %mul3A_308 = arith.muli %add3A_306, %mul3A_307 : i32
      %dma_wait3A_309 = tpu.memref_slice %arg6[%mul3A_308] : memref<12800xi32, #tpu.memory_space<vmem>> -> memref<128xi32, #tpu.memory_space<vmem>>
      %dma_wait3A_310 = arith.constant 0 : i32
      %dma_wait3A_311 = tpu.memref_slice %arg5[%add3A_304, %dma_wait3A_310] : memref<100x128xi32, #tpu.memory_space<vmem>> -> memref<1x128xi32, #tpu.memory_space<vmem>>
      %dma_wait3A_312 = tpu.memref_squeeze %dma_wait3A_311 : memref<1x128xi32, #tpu.memory_space<vmem>> -> memref<128xi32, #tpu.memory_space<vmem>>
      %dma_wait3A_313 = arith.constant 0 : i32
      %dma_wait3A_314 = tpu.memref_slice %arg2[%dma_wait3A_313] : memref<10000000xi32, #tpu.memory_space<hbm>> -> memref<10000000xi32, #tpu.memory_space<hbm>>
      tpu.wait_indirect_dma semaphore(%arg8 : memref<!tpu.dma_semaphore, #tpu.memory_space<semaphore_mem>>) src(%dma_wait3A_314 : memref<10000000xi32, #tpu.memory_space<hbm>>) dst(%dma_wait3A_309 : memref<128xi32, #tpu.memory_space<vmem>>)
      %add3A_315 = arith.constant 8 : i32
      %add3A_316 = arith.addi %mul3A_100, %add3A_315 : i32
      %add3A_317 = arith.constant 8 : i32
      %add3A_318 = arith.addi %mul3A_100, %add3A_317 : i32
      %mul3A_319 = arith.constant 128 : i32
      %mul3A_320 = arith.muli %add3A_318, %mul3A_319 : i32
      %dma_wait3A_321 = tpu.memref_slice %arg6[%mul3A_320] : memref<12800xi32, #tpu.memory_space<vmem>> -> memref<128xi32, #tpu.memory_space<vmem>>
      %dma_wait3A_322 = arith.constant 0 : i32
      %dma_wait3A_323 = tpu.memref_slice %arg5[%add3A_316, %dma_wait3A_322] : memref<100x128xi32, #tpu.memory_space<vmem>> -> memref<1x128xi32, #tpu.memory_space<vmem>>
      %dma_wait3A_324 = tpu.memref_squeeze %dma_wait3A_323 : memref<1x128xi32, #tpu.memory_space<vmem>> -> memref<128xi32, #tpu.memory_space<vmem>>
      %dma_wait3A_325 = arith.constant 0 : i32
      %dma_wait3A_326 = tpu.memref_slice %arg2[%dma_wait3A_325] : memref<10000000xi32, #tpu.memory_space<hbm>> -> memref<10000000xi32, #tpu.memory_space<hbm>>
      tpu.wait_indirect_dma semaphore(%arg8 : memref<!tpu.dma_semaphore, #tpu.memory_space<semaphore_mem>>) src(%dma_wait3A_326 : memref<10000000xi32, #tpu.memory_space<hbm>>) dst(%dma_wait3A_321 : memref<128xi32, #tpu.memory_space<vmem>>)
      %add3A_327 = arith.constant 9 : i32
      %add3A_328 = arith.addi %mul3A_100, %add3A_327 : i32
      %add3A_329 = arith.constant 9 : i32
      %add3A_330 = arith.addi %mul3A_100, %add3A_329 : i32
      %mul3A_331 = arith.constant 128 : i32
      %mul3A_332 = arith.muli %add3A_330, %mul3A_331 : i32
      %dma_wait3A_333 = tpu.memref_slice %arg6[%mul3A_332] : memref<12800xi32, #tpu.memory_space<vmem>> -> memref<128xi32, #tpu.memory_space<vmem>>
      %dma_wait3A_334 = arith.constant 0 : i32
      %dma_wait3A_335 = tpu.memref_slice %arg5[%add3A_328, %dma_wait3A_334] : memref<100x128xi32, #tpu.memory_space<vmem>> -> memref<1x128xi32, #tpu.memory_space<vmem>>
      %dma_wait3A_336 = tpu.memref_squeeze %dma_wait3A_335 : memref<1x128xi32, #tpu.memory_space<vmem>> -> memref<128xi32, #tpu.memory_space<vmem>>
      %dma_wait3A_337 = arith.constant 0 : i32
      %dma_wait3A_338 = tpu.memref_slice %arg2[%dma_wait3A_337] : memref<10000000xi32, #tpu.memory_space<hbm>> -> memref<10000000xi32, #tpu.memory_space<hbm>>
      tpu.wait_indirect_dma semaphore(%arg8 : memref<!tpu.dma_semaphore, #tpu.memory_space<semaphore_mem>>) src(%dma_wait3A_338 : memref<10000000xi32, #tpu.memory_space<hbm>>) dst(%dma_wait3A_333 : memref<128xi32, #tpu.memory_space<vmem>>)
      %scan3A_339 = arith.constant 0 : i32
      scf.yield %scan3A_339 : i32
    }
    %scan3A_8 = arith.constant 10 : i32
    %broadcast_in_dim3A = arith.constant -65536 : i32
    %broadcast_in_dim3A_9 = vector.broadcast %broadcast_in_dim3A : i32 to vector<16xi32>
    %broadcast_in_dim3A_10 = arith.constant 0.000000e+00 : f32
    %broadcast_in_dim3A_11 = vector.broadcast %broadcast_in_dim3A_10 : f32 to vector<16xf32>
    %broadcast_in_dim3A_12 = arith.constant 0.000000e+00 : f32
    %broadcast_in_dim3A_13 = vector.broadcast %broadcast_in_dim3A_12 : f32 to vector<16xf32>
    %broadcast_in_dim3A_14 = arith.constant 0.000000e+00 : f32
    %broadcast_in_dim3A_15 = vector.broadcast %broadcast_in_dim3A_14 : f32 to vector<16xf32>
    %broadcast_in_dim3A_16 = arith.constant 0.000000e+00 : f32
    %broadcast_in_dim3A_17 = vector.broadcast %broadcast_in_dim3A_16 : f32 to vector<16xf32>
    %broadcast_in_dim3A_18 = arith.constant 0.000000e+00 : f32
    %broadcast_in_dim3A_19 = vector.broadcast %broadcast_in_dim3A_18 : f32 to vector<16xf32>
    %broadcast_in_dim3A_20 = arith.constant 0.000000e+00 : f32
    %broadcast_in_dim3A_21 = vector.broadcast %broadcast_in_dim3A_20 : f32 to vector<16xf32>
    %broadcast_in_dim3A_22 = arith.constant 0.000000e+00 : f32
    %broadcast_in_dim3A_23 = vector.broadcast %broadcast_in_dim3A_22 : f32 to vector<16xf32>
    %broadcast_in_dim3A_24 = arith.constant 0.000000e+00 : f32
    %broadcast_in_dim3A_25 = vector.broadcast %broadcast_in_dim3A_24 : f32 to vector<16xf32>
    %scan3A_26 = arith.constant 0 : i32
    %scan3A_27 = arith.constant 100 : i32
    %scan3A_28 = arith.addi %scan3A_26, %scan3A_27 : i32
    %scan3A_29 = arith.constant 1 : i32
    %scan3A_30:16 = scf.for %scan3A_97 = %scan3A_26 to %scan3A_28 step %scan3A_29 iter_args(%scan3A_98 = %broadcast_in_dim3A_11, %scan3A_99 = %broadcast_in_dim3A_13, %scan3A_100 = %broadcast_in_dim3A_15, %scan3A_101 = %broadcast_in_dim3A_17, %scan3A_102 = %broadcast_in_dim3A_19, %scan3A_103 = %broadcast_in_dim3A_21, %scan3A_104 = %broadcast_in_dim3A_23, %scan3A_105 = %broadcast_in_dim3A_25, %scan3A_106 = %broadcast_in_dim3A_11, %scan3A_107 = %broadcast_in_dim3A_13, %scan3A_108 = %broadcast_in_dim3A_15, %scan3A_109 = %broadcast_in_dim3A_17, %scan3A_110 = %broadcast_in_dim3A_19, %scan3A_111 = %broadcast_in_dim3A_21, %scan3A_112 = %broadcast_in_dim3A_23, %scan3A_113 = %broadcast_in_dim3A_25) -> (vector<16xf32>, vector<16xf32>, vector<16xf32>, vector<16xf32>, vector<16xf32>, vector<16xf32>, vector<16xf32>, vector<16xf32>, vector<16xf32>, vector<16xf32>, vector<16xf32>, vector<16xf32>, vector<16xf32>, vector<16xf32>, vector<16xf32>, vector<16xf32>)  : i32 {
      %mul3A_114 = arith.constant 128 : i32
      %mul3A_115 = arith.muli %scan3A_97, %mul3A_114 : i32
      %add3A_116 = arith.constant 0 : i32
      %add3A_117 = arith.addi %mul3A_115, %add3A_116 : i32
      %get3A = arith.index_cast %add3A_117 : i32 to index
      %get3A_118 = tpu.vector_load %arg6[%get3A] {strides = array<i32>} : memref<12800xi32, #tpu.memory_space<vmem>>, vector<16xi32>,
      %get3A_119 = vector.shape_cast %get3A_118 : vector<16xi32> to vector<16xi32>
      %shift_left3A = arith.constant 16 : i32
      %shift_left3A_120 = vector.broadcast %shift_left3A : i32 to vector<16xi32>
      %shift_left3A_121 = arith.shli %get3A_119, %shift_left3A_120 : vector<16xi32>
      %bitcast_convert_type3A = tpu.bitcast %shift_left3A_121 : vector<16xi32> -> vector<16xf32>
      %and3A = arith.andi %get3A_119, %broadcast_in_dim3A_9 : vector<16xi32>
      %bitcast_convert_type3A_122 = tpu.bitcast %and3A : vector<16xi32> -> vector<16xf32>
      %add3A_123 = arith.addf %scan3A_98, %bitcast_convert_type3A : vector<16xf32>
      %add3A_124 = arith.addf %scan3A_106, %bitcast_convert_type3A_122 : vector<16xf32>
      %mul3A_125 = arith.constant 128 : i32
      %mul3A_126 = arith.muli %scan3A_97, %mul3A_125 : i32
      %add3A_127 = arith.constant 16 : i32
      %add3A_128 = arith.addi %mul3A_126, %add3A_127 : i32
      %get3A_129 = arith.index_cast %add3A_128 : i32 to index
      %get3A_130 = tpu.vector_load %arg6[%get3A_129] {strides = array<i32>} : memref<12800xi32, #tpu.memory_space<vmem>>, vector<16xi32>,
      %get3A_131 = vector.shape_cast %get3A_130 : vector<16xi32> to vector<16xi32>
      %shift_left3A_132 = arith.constant 16 : i32
      %shift_left3A_133 = vector.broadcast %shift_left3A_132 : i32 to vector<16xi32>
      %shift_left3A_134 = arith.shli %get3A_131, %shift_left3A_133 : vector<16xi32>
      %bitcast_convert_type3A_135 = tpu.bitcast %shift_left3A_134 : vector<16xi32> -> vector<16xf32>
      %and3A_136 = arith.andi %get3A_131, %broadcast_in_dim3A_9 : vector<16xi32>
      %bitcast_convert_type3A_137 = tpu.bitcast %and3A_136 : vector<16xi32> -> vector<16xf32>
      %add3A_138 = arith.addf %scan3A_99, %bitcast_convert_type3A_135 : vector<16xf32>
      %add3A_139 = arith.addf %scan3A_107, %bitcast_convert_type3A_137 : vector<16xf32>
      %mul3A_140 = arith.constant 128 : i32
      %mul3A_141 = arith.muli %scan3A_97, %mul3A_140 : i32
      %add3A_142 = arith.constant 32 : i32
      %add3A_143 = arith.addi %mul3A_141, %add3A_142 : i32
      %get3A_144 = arith.index_cast %add3A_143 : i32 to index
      %get3A_145 = tpu.vector_load %arg6[%get3A_144] {strides = array<i32>} : memref<12800xi32, #tpu.memory_space<vmem>>, vector<16xi32>,
      %get3A_146 = vector.shape_cast %get3A_145 : vector<16xi32> to vector<16xi32>
      %shift_left3A_147 = arith.constant 16 : i32
      %shift_left3A_148 = vector.broadcast %shift_left3A_147 : i32 to vector<16xi32>
      %shift_left3A_149 = arith.shli %get3A_146, %shift_left3A_148 : vector<16xi32>
      %bitcast_convert_type3A_150 = tpu.bitcast %shift_left3A_149 : vector<16xi32> -> vector<16xf32>
      %and3A_151 = arith.andi %get3A_146, %broadcast_in_dim3A_9 : vector<16xi32>
      %bitcast_convert_type3A_152 = tpu.bitcast %and3A_151 : vector<16xi32> -> vector<16xf32>
      %add3A_153 = arith.addf %scan3A_100, %bitcast_convert_type3A_150 : vector<16xf32>
      %add3A_154 = arith.addf %scan3A_108, %bitcast_convert_type3A_152 : vector<16xf32>
      %mul3A_155 = arith.constant 128 : i32
      %mul3A_156 = arith.muli %scan3A_97, %mul3A_155 : i32
      %add3A_157 = arith.constant 48 : i32
      %add3A_158 = arith.addi %mul3A_156, %add3A_157 : i32
      %get3A_159 = arith.index_cast %add3A_158 : i32 to index
      %get3A_160 = tpu.vector_load %arg6[%get3A_159] {strides = array<i32>} : memref<12800xi32, #tpu.memory_space<vmem>>, vector<16xi32>,
      %get3A_161 = vector.shape_cast %get3A_160 : vector<16xi32> to vector<16xi32>
      %shift_left3A_162 = arith.constant 16 : i32
      %shift_left3A_163 = vector.broadcast %shift_left3A_162 : i32 to vector<16xi32>
      %shift_left3A_164 = arith.shli %get3A_161, %shift_left3A_163 : vector<16xi32>
      %bitcast_convert_type3A_165 = tpu.bitcast %shift_left3A_164 : vector<16xi32> -> vector<16xf32>
      %and3A_166 = arith.andi %get3A_161, %broadcast_in_dim3A_9 : vector<16xi32>
      %bitcast_convert_type3A_167 = tpu.bitcast %and3A_166 : vector<16xi32> -> vector<16xf32>
      %add3A_168 = arith.addf %scan3A_101, %bitcast_convert_type3A_165 : vector<16xf32>
      %add3A_169 = arith.addf %scan3A_109, %bitcast_convert_type3A_167 : vector<16xf32>
      %mul3A_170 = arith.constant 128 : i32
      %mul3A_171 = arith.muli %scan3A_97, %mul3A_170 : i32
      %add3A_172 = arith.constant 64 : i32
      %add3A_173 = arith.addi %mul3A_171, %add3A_172 : i32
      %get3A_174 = arith.index_cast %add3A_173 : i32 to index
      %get3A_175 = tpu.vector_load %arg6[%get3A_174] {strides = array<i32>} : memref<12800xi32, #tpu.memory_space<vmem>>, vector<16xi32>,
      %get3A_176 = vector.shape_cast %get3A_175 : vector<16xi32> to vector<16xi32>
      %shift_left3A_177 = arith.constant 16 : i32
      %shift_left3A_178 = vector.broadcast %shift_left3A_177 : i32 to vector<16xi32>
      %shift_left3A_179 = arith.shli %get3A_176, %shift_left3A_178 : vector<16xi32>
      %bitcast_convert_type3A_180 = tpu.bitcast %shift_left3A_179 : vector<16xi32> -> vector<16xf32>
      %and3A_181 = arith.andi %get3A_176, %broadcast_in_dim3A_9 : vector<16xi32>
      %bitcast_convert_type3A_182 = tpu.bitcast %and3A_181 : vector<16xi32> -> vector<16xf32>
      %add3A_183 = arith.addf %scan3A_102, %bitcast_convert_type3A_180 : vector<16xf32>
      %add3A_184 = arith.addf %scan3A_110, %bitcast_convert_type3A_182 : vector<16xf32>
      %mul3A_185 = arith.constant 128 : i32
      %mul3A_186 = arith.muli %scan3A_97, %mul3A_185 : i32
      %add3A_187 = arith.constant 80 : i32
      %add3A_188 = arith.addi %mul3A_186, %add3A_187 : i32
      %get3A_189 = arith.index_cast %add3A_188 : i32 to index
      %get3A_190 = tpu.vector_load %arg6[%get3A_189] {strides = array<i32>} : memref<12800xi32, #tpu.memory_space<vmem>>, vector<16xi32>,
      %get3A_191 = vector.shape_cast %get3A_190 : vector<16xi32> to vector<16xi32>
      %shift_left3A_192 = arith.constant 16 : i32
      %shift_left3A_193 = vector.broadcast %shift_left3A_192 : i32 to vector<16xi32>
      %shift_left3A_194 = arith.shli %get3A_191, %shift_left3A_193 : vector<16xi32>
      %bitcast_convert_type3A_195 = tpu.bitcast %shift_left3A_194 : vector<16xi32> -> vector<16xf32>
      %and3A_196 = arith.andi %get3A_191, %broadcast_in_dim3A_9 : vector<16xi32>
      %bitcast_convert_type3A_197 = tpu.bitcast %and3A_196 : vector<16xi32> -> vector<16xf32>
      %add3A_198 = arith.addf %scan3A_103, %bitcast_convert_type3A_195 : vector<16xf32>
      %add3A_199 = arith.addf %scan3A_111, %bitcast_convert_type3A_197 : vector<16xf32>
      %mul3A_200 = arith.constant 128 : i32
      %mul3A_201 = arith.muli %scan3A_97, %mul3A_200 : i32
      %add3A_202 = arith.constant 96 : i32
      %add3A_203 = arith.addi %mul3A_201, %add3A_202 : i32
      %get3A_204 = arith.index_cast %add3A_203 : i32 to index
      %get3A_205 = tpu.vector_load %arg6[%get3A_204] {strides = array<i32>} : memref<12800xi32, #tpu.memory_space<vmem>>, vector<16xi32>,
      %get3A_206 = vector.shape_cast %get3A_205 : vector<16xi32> to vector<16xi32>
      %shift_left3A_207 = arith.constant 16 : i32
      %shift_left3A_208 = vector.broadcast %shift_left3A_207 : i32 to vector<16xi32>
      %shift_left3A_209 = arith.shli %get3A_206, %shift_left3A_208 : vector<16xi32>
      %bitcast_convert_type3A_210 = tpu.bitcast %shift_left3A_209 : vector<16xi32> -> vector<16xf32>
      %and3A_211 = arith.andi %get3A_206, %broadcast_in_dim3A_9 : vector<16xi32>
      %bitcast_convert_type3A_212 = tpu.bitcast %and3A_211 : vector<16xi32> -> vector<16xf32>
      %add3A_213 = arith.addf %scan3A_104, %bitcast_convert_type3A_210 : vector<16xf32>
      %add3A_214 = arith.addf %scan3A_112, %bitcast_convert_type3A_212 : vector<16xf32>
      %mul3A_215 = arith.constant 128 : i32
      %mul3A_216 = arith.muli %scan3A_97, %mul3A_215 : i32
      %add3A_217 = arith.constant 112 : i32
      %add3A_218 = arith.addi %mul3A_216, %add3A_217 : i32
      %get3A_219 = arith.index_cast %add3A_218 : i32 to index
      %get3A_220 = tpu.vector_load %arg6[%get3A_219] {strides = array<i32>} : memref<12800xi32, #tpu.memory_space<vmem>>, vector<16xi32>,
      %get3A_221 = vector.shape_cast %get3A_220 : vector<16xi32> to vector<16xi32>
      %shift_left3A_222 = arith.constant 16 : i32
      %shift_left3A_223 = vector.broadcast %shift_left3A_222 : i32 to vector<16xi32>
      %shift_left3A_224 = arith.shli %get3A_221, %shift_left3A_223 : vector<16xi32>
      %bitcast_convert_type3A_225 = tpu.bitcast %shift_left3A_224 : vector<16xi32> -> vector<16xf32>
      %and3A_226 = arith.andi %get3A_221, %broadcast_in_dim3A_9 : vector<16xi32>
      %bitcast_convert_type3A_227 = tpu.bitcast %and3A_226 : vector<16xi32> -> vector<16xf32>
      %add3A_228 = arith.addf %scan3A_105, %bitcast_convert_type3A_225 : vector<16xf32>
      %add3A_229 = arith.addf %scan3A_113, %bitcast_convert_type3A_227 : vector<16xf32>
      scf.yield %add3A_123, %add3A_138, %add3A_153, %add3A_168, %add3A_183, %add3A_198, %add3A_213, %add3A_228, %add3A_124, %add3A_139, %add3A_154, %add3A_169, %add3A_184, %add3A_199, %add3A_214, %add3A_229 : vector<16xf32>, vector<16xf32>, vector<16xf32>, vector<16xf32>, vector<16xf32>, vector<16xf32>, vector<16xf32>, vector<16xf32>, vector<16xf32>, vector<16xf32>, vector<16xf32>, vector<16xf32>, vector<16xf32>, vector<16xf32>, vector<16xf32>, vector<16xf32>
    }
    %scan3A_31 = arith.constant 100 : i32
    %swap3A = arith.constant 0 : index
    %swap3A_32 = tpu.vector_load %arg7[%swap3A] {strides = array<i32>} : memref<256xf32, #tpu.memory_space<vmem>>, vector<16xf32>,
    %swap3A_33 = vector.shape_cast %swap3A_32 : vector<16xf32> to vector<16xf32>
    %swap3A_34 = vector.shape_cast %scan3A_30#0 : vector<16xf32> to vector<16xf32>
    tpu.vector_store %arg7[%swap3A], %swap3A_34 {strides = array<i32>} : memref<256xf32, #tpu.memory_space<vmem>>, vector<16xf32>,
    %swap3A_35 = arith.constant 128 : index
    %swap3A_36 = tpu.vector_load %arg7[%swap3A_35] {strides = array<i32>} : memref<256xf32, #tpu.memory_space<vmem>>, vector<16xf32>,
    %swap3A_37 = vector.shape_cast %swap3A_36 : vector<16xf32> to vector<16xf32>
    %swap3A_38 = vector.shape_cast %scan3A_30#8 : vector<16xf32> to vector<16xf32>
    tpu.vector_store %arg7[%swap3A_35], %swap3A_38 {strides = array<i32>} : memref<256xf32, #tpu.memory_space<vmem>>, vector<16xf32>,
    %swap3A_39 = arith.constant 16 : index
    %swap3A_40 = tpu.vector_load %arg7[%swap3A_39] {strides = array<i32>} : memref<256xf32, #tpu.memory_space<vmem>>, vector<16xf32>,
    %swap3A_41 = vector.shape_cast %swap3A_40 : vector<16xf32> to vector<16xf32>
    %swap3A_42 = vector.shape_cast %scan3A_30#1 : vector<16xf32> to vector<16xf32>
    tpu.vector_store %arg7[%swap3A_39], %swap3A_42 {strides = array<i32>} : memref<256xf32, #tpu.memory_space<vmem>>, vector<16xf32>,
    %swap3A_43 = arith.constant 144 : index
    %swap3A_44 = tpu.vector_load %arg7[%swap3A_43] {strides = array<i32>} : memref<256xf32, #tpu.memory_space<vmem>>, vector<16xf32>,
    %swap3A_45 = vector.shape_cast %swap3A_44 : vector<16xf32> to vector<16xf32>
    %swap3A_46 = vector.shape_cast %scan3A_30#9 : vector<16xf32> to vector<16xf32>
    tpu.vector_store %arg7[%swap3A_43], %swap3A_46 {strides = array<i32>} : memref<256xf32, #tpu.memory_space<vmem>>, vector<16xf32>,
    %swap3A_47 = arith.constant 32 : index
    %swap3A_48 = tpu.vector_load %arg7[%swap3A_47] {strides = array<i32>} : memref<256xf32, #tpu.memory_space<vmem>>, vector<16xf32>,
    %swap3A_49 = vector.shape_cast %swap3A_48 : vector<16xf32> to vector<16xf32>
    %swap3A_50 = vector.shape_cast %scan3A_30#2 : vector<16xf32> to vector<16xf32>
    tpu.vector_store %arg7[%swap3A_47], %swap3A_50 {strides = array<i32>} : memref<256xf32, #tpu.memory_space<vmem>>, vector<16xf32>,
    %swap3A_51 = arith.constant 160 : index
    %swap3A_52 = tpu.vector_load %arg7[%swap3A_51] {strides = array<i32>} : memref<256xf32, #tpu.memory_space<vmem>>, vector<16xf32>,
    %swap3A_53 = vector.shape_cast %swap3A_52 : vector<16xf32> to vector<16xf32>
    %swap3A_54 = vector.shape_cast %scan3A_30#10 : vector<16xf32> to vector<16xf32>
    tpu.vector_store %arg7[%swap3A_51], %swap3A_54 {strides = array<i32>} : memref<256xf32, #tpu.memory_space<vmem>>, vector<16xf32>,
    %swap3A_55 = arith.constant 48 : index
    %swap3A_56 = tpu.vector_load %arg7[%swap3A_55] {strides = array<i32>} : memref<256xf32, #tpu.memory_space<vmem>>, vector<16xf32>,
    %swap3A_57 = vector.shape_cast %swap3A_56 : vector<16xf32> to vector<16xf32>
    %swap3A_58 = vector.shape_cast %scan3A_30#3 : vector<16xf32> to vector<16xf32>
    tpu.vector_store %arg7[%swap3A_55], %swap3A_58 {strides = array<i32>} : memref<256xf32, #tpu.memory_space<vmem>>, vector<16xf32>,
    %swap3A_59 = arith.constant 176 : index
    %swap3A_60 = tpu.vector_load %arg7[%swap3A_59] {strides = array<i32>} : memref<256xf32, #tpu.memory_space<vmem>>, vector<16xf32>,
    %swap3A_61 = vector.shape_cast %swap3A_60 : vector<16xf32> to vector<16xf32>
    %swap3A_62 = vector.shape_cast %scan3A_30#11 : vector<16xf32> to vector<16xf32>
    tpu.vector_store %arg7[%swap3A_59], %swap3A_62 {strides = array<i32>} : memref<256xf32, #tpu.memory_space<vmem>>, vector<16xf32>,
    %swap3A_63 = arith.constant 64 : index
    %swap3A_64 = tpu.vector_load %arg7[%swap3A_63] {strides = array<i32>} : memref<256xf32, #tpu.memory_space<vmem>>, vector<16xf32>,
    %swap3A_65 = vector.shape_cast %swap3A_64 : vector<16xf32> to vector<16xf32>
    %swap3A_66 = vector.shape_cast %scan3A_30#4 : vector<16xf32> to vector<16xf32>
    tpu.vector_store %arg7[%swap3A_63], %swap3A_66 {strides = array<i32>} : memref<256xf32, #tpu.memory_space<vmem>>, vector<16xf32>,
    %swap3A_67 = arith.constant 192 : index
    %swap3A_68 = tpu.vector_load %arg7[%swap3A_67] {strides = array<i32>} : memref<256xf32, #tpu.memory_space<vmem>>, vector<16xf32>,
    %swap3A_69 = vector.shape_cast %swap3A_68 : vector<16xf32> to vector<16xf32>
    %swap3A_70 = vector.shape_cast %scan3A_30#12 : vector<16xf32> to vector<16xf32>
    tpu.vector_store %arg7[%swap3A_67], %swap3A_70 {strides = array<i32>} : memref<256xf32, #tpu.memory_space<vmem>>, vector<16xf32>,
    %swap3A_71 = arith.constant 80 : index
    %swap3A_72 = tpu.vector_load %arg7[%swap3A_71] {strides = array<i32>} : memref<256xf32, #tpu.memory_space<vmem>>, vector<16xf32>,
    %swap3A_73 = vector.shape_cast %swap3A_72 : vector<16xf32> to vector<16xf32>
    %swap3A_74 = vector.shape_cast %scan3A_30#5 : vector<16xf32> to vector<16xf32>
    tpu.vector_store %arg7[%swap3A_71], %swap3A_74 {strides = array<i32>} : memref<256xf32, #tpu.memory_space<vmem>>, vector<16xf32>,
    %swap3A_75 = arith.constant 208 : index
    %swap3A_76 = tpu.vector_load %arg7[%swap3A_75] {strides = array<i32>} : memref<256xf32, #tpu.memory_space<vmem>>, vector<16xf32>,
    %swap3A_77 = vector.shape_cast %swap3A_76 : vector<16xf32> to vector<16xf32>
    %swap3A_78 = vector.shape_cast %scan3A_30#13 : vector<16xf32> to vector<16xf32>
    tpu.vector_store %arg7[%swap3A_75], %swap3A_78 {strides = array<i32>} : memref<256xf32, #tpu.memory_space<vmem>>, vector<16xf32>,
    %swap3A_79 = arith.constant 96 : index
    %swap3A_80 = tpu.vector_load %arg7[%swap3A_79] {strides = array<i32>} : memref<256xf32, #tpu.memory_space<vmem>>, vector<16xf32>,
    %swap3A_81 = vector.shape_cast %swap3A_80 : vector<16xf32> to vector<16xf32>
    %swap3A_82 = vector.shape_cast %scan3A_30#6 : vector<16xf32> to vector<16xf32>
    tpu.vector_store %arg7[%swap3A_79], %swap3A_82 {strides = array<i32>} : memref<256xf32, #tpu.memory_space<vmem>>, vector<16xf32>,
    %swap3A_83 = arith.constant 224 : index
    %swap3A_84 = tpu.vector_load %arg7[%swap3A_83] {strides = array<i32>} : memref<256xf32, #tpu.memory_space<vmem>>, vector<16xf32>,
    %swap3A_85 = vector.shape_cast %swap3A_84 : vector<16xf32> to vector<16xf32>
    %swap3A_86 = vector.shape_cast %scan3A_30#14 : vector<16xf32> to vector<16xf32>
    tpu.vector_store %arg7[%swap3A_83], %swap3A_86 {strides = array<i32>} : memref<256xf32, #tpu.memory_space<vmem>>, vector<16xf32>,
    %swap3A_87 = arith.constant 112 : index
    %swap3A_88 = tpu.vector_load %arg7[%swap3A_87] {strides = array<i32>} : memref<256xf32, #tpu.memory_space<vmem>>, vector<16xf32>,
    %swap3A_89 = vector.shape_cast %swap3A_88 : vector<16xf32> to vector<16xf32>
    %swap3A_90 = vector.shape_cast %scan3A_30#7 : vector<16xf32> to vector<16xf32>
    tpu.vector_store %arg7[%swap3A_87], %swap3A_90 {strides = array<i32>} : memref<256xf32, #tpu.memory_space<vmem>>, vector<16xf32>,
    %swap3A_91 = arith.constant 240 : index
    %swap3A_92 = tpu.vector_load %arg7[%swap3A_91] {strides = array<i32>} : memref<256xf32, #tpu.memory_space<vmem>>, vector<16xf32>,
    %swap3A_93 = vector.shape_cast %swap3A_92 : vector<16xf32> to vector<16xf32>
    %swap3A_94 = vector.shape_cast %scan3A_30#15 : vector<16xf32> to vector<16xf32>
    tpu.vector_store %arg7[%swap3A_91], %swap3A_94 {strides = array<i32>} : memref<256xf32, #tpu.memory_space<vmem>>, vector<16xf32>,
    "tpu.region"() ({
      %run_scoped3A = tpu.sem_alloc : memref<!tpu.dma_semaphore, #tpu.memory_space<semaphore_mem>>
      %dma_start3A = arith.constant 0 : i32
      %dma_start3A_97 = tpu.memref_slice %arg7[%dma_start3A] : memref<256xf32, #tpu.memory_space<vmem>> -> memref<128xf32, #tpu.memory_space<vmem>>
      %dma_start3A_98 = tpu.memref_slice %arg4[%mul3A_2] : memref<8192xf32, #tpu.memory_space<hbm>> -> memref<128xf32, #tpu.memory_space<hbm>>
      %dma_start3A_99 = tpu.memref_slice %arg4[%mul3A_2] : memref<8192xf32, #tpu.memory_space<hbm>> -> memref<128xf32, #tpu.memory_space<hbm>>
      %dma_start3A_100 = arith.constant 0 : i32
      %dma_start3A_101 = tpu.memref_slice %arg7[%dma_start3A_100] : memref<256xf32, #tpu.memory_space<vmem>> -> memref<128xf32, #tpu.memory_space<vmem>>
      tpu.enqueue_dma source(%dma_start3A_101 : memref<128xf32, #tpu.memory_space<vmem>>) target(%dma_start3A_99 : memref<128xf32, #tpu.memory_space<hbm>>) target_semaphore(%run_scoped3A : memref<!tpu.dma_semaphore, #tpu.memory_space<semaphore_mem>>)
      %dma_wait3A = arith.constant 0 : i32
      %dma_wait3A_102 = tpu.memref_slice %arg7[%dma_wait3A] : memref<256xf32, #tpu.memory_space<vmem>> -> memref<128xf32, #tpu.memory_space<vmem>>
      %dma_wait3A_103 = tpu.memref_slice %arg4[%mul3A_2] : memref<8192xf32, #tpu.memory_space<hbm>> -> memref<128xf32, #tpu.memory_space<hbm>>
      %dma_wait3A_104 = tpu.memref_slice %arg4[%mul3A_2] : memref<8192xf32, #tpu.memory_space<hbm>> -> memref<128xf32, #tpu.memory_space<hbm>>
      %dma_wait3A_105 = arith.constant 0 : i32
      %dma_wait3A_106 = tpu.memref_slice %arg7[%dma_wait3A_105] : memref<256xf32, #tpu.memory_space<vmem>> -> memref<128xf32, #tpu.memory_space<vmem>>
      tpu.wait_dma2 semaphore(%run_scoped3A : memref<!tpu.dma_semaphore, #tpu.memory_space<semaphore_mem>>) src(%dma_wait3A_106 : memref<128xf32, #tpu.memory_space<vmem>>) dst(%dma_wait3A_104 : memref<128xf32, #tpu.memory_space<hbm>>)
      tpu.yield
    }) : () -> ()
    %add3A_95 = arith.constant 4096 : i32
    %add3A_96 = arith.addi %add3A_95, %mul3A_2 : i32
    "tpu.region"() ({
      %run_scoped3A = tpu.sem_alloc : memref<!tpu.dma_semaphore, #tpu.memory_space<semaphore_mem>>
      %dma_start3A = arith.constant 128 : i32
      %dma_start3A_97 = tpu.memref_slice %arg7[%dma_start3A] : memref<256xf32, #tpu.memory_space<vmem>> -> memref<128xf32, #tpu.memory_space<vmem>>
      %dma_start3A_98 = tpu.memref_slice %arg4[%add3A_96] : memref<8192xf32, #tpu.memory_space<hbm>> -> memref<128xf32, #tpu.memory_space<hbm>>
      %dma_start3A_99 = tpu.memref_slice %arg4[%add3A_96] : memref<8192xf32, #tpu.memory_space<hbm>> -> memref<128xf32, #tpu.memory_space<hbm>>
      %dma_start3A_100 = arith.constant 128 : i32
      %dma_start3A_101 = tpu.memref_slice %arg7[%dma_start3A_100] : memref<256xf32, #tpu.memory_space<vmem>> -> memref<128xf32, #tpu.memory_space<vmem>>
      tpu.enqueue_dma source(%dma_start3A_101 : memref<128xf32, #tpu.memory_space<vmem>>) target(%dma_start3A_99 : memref<128xf32, #tpu.memory_space<hbm>>) target_semaphore(%run_scoped3A : memref<!tpu.dma_semaphore, #tpu.memory_space<semaphore_mem>>)
      %dma_wait3A = arith.constant 128 : i32
      %dma_wait3A_102 = tpu.memref_slice %arg7[%dma_wait3A] : memref<256xf32, #tpu.memory_space<vmem>> -> memref<128xf32, #tpu.memory_space<vmem>>
      %dma_wait3A_103 = tpu.memref_slice %arg4[%add3A_96] : memref<8192xf32, #tpu.memory_space<hbm>> -> memref<128xf32, #tpu.memory_space<hbm>>
      %dma_wait3A_104 = tpu.memref_slice %arg4[%add3A_96] : memref<8192xf32, #tpu.memory_space<hbm>> -> memref<128xf32, #tpu.memory_space<hbm>>
      %dma_wait3A_105 = arith.constant 128 : i32
      %dma_wait3A_106 = tpu.memref_slice %arg7[%dma_wait3A_105] : memref<256xf32, #tpu.memory_space<vmem>> -> memref<128xf32, #tpu.memory_space<vmem>>
      tpu.wait_dma2 semaphore(%run_scoped3A : memref<!tpu.dma_semaphore, #tpu.memory_space<semaphore_mem>>) src(%dma_wait3A_106 : memref<128xf32, #tpu.memory_space<vmem>>) dst(%dma_wait3A_104 : memref<128xf32, #tpu.memory_space<hbm>>)
      tpu.yield
    }) : () -> ()
    return
  }
}

module attributes {stable_mosaic.version = 14 : i64} {
  func.func @_mm_body(%arg0: i32, %arg1: memref<2000x200xf32, #tpu.memory_space<vmem>>, %arg2: memref<200x200xf32, #tpu.memory_space<vmem>>, %arg3: memref<2000x200xbf16, #tpu.memory_space<vmem>>) attributes {dimension_semantics = [#tpu.dimension_semantics<arbitrary>], iteration_bounds = array<i64: 50>, scalar_prefetch = 0 : i64, scratch_operands = 0 : i64, tpu.core_type = #tpu.core_type<tc>, window_params = [{transform_indices = @transform_0, window_bounds = array<i64: 2000, 200>}, {pipeline_mode = #tpu.pipeline_mode<synchronous>, transform_indices = @transform_1, window_bounds = array<i64: 200, 200>}, {transform_indices = @transform_2, window_bounds = array<i64: 2000, 200>}]} {
    %get3A = arith.constant 0 : index
    %get3A_0 = arith.constant 0 : index
    %get3A_1 = vector.load %arg1[%get3A, %get3A_0] : memref<2000x200xf32, #tpu.memory_space<vmem>>, vector<2000x200xf32>
    %get3A_2 = arith.constant 0 : index
    %get3A_3 = arith.constant 0 : index
    %get3A_4 = vector.load %arg2[%get3A_2, %get3A_3] : memref<200x200xf32, #tpu.memory_space<vmem>>, vector<200x200xf32>
    %dot_general3A = arith.constant dense<0.000000e+00> : vector<2000x200xf32>
    %dot_general3A_5 = tpu.matmul %get3A_1, %get3A_4, %dot_general3A {dimension_numbers = #tpu.dot_dimension_numbers<[1], [0], [0], [1], [0, 0, 1, 1], [], []>, transpose_lhs_hint = false} : vector<2000x200xf32>, vector<200x200xf32>, vector<2000x200xf32> -> vector<2000x200xf32>
    %convert_element_type3A = arith.truncf %dot_general3A_5 : vector<2000x200xf32> to vector<2000x200xbf16>
    %swap3A = arith.constant 0 : index
    %swap3A_6 = arith.constant 0 : index
    %swap3A_7 = vector.load %arg3[%swap3A, %swap3A_6] : memref<2000x200xbf16, #tpu.memory_space<vmem>>, vector<2000x200xbf16>
    tpu.vector_store %arg3[%swap3A, %swap3A_6], %convert_element_type3A {strides = array<i32>} : memref<2000x200xbf16, #tpu.memory_space<vmem>>, vector<2000x200xbf16>,
    return
  }
  func.func @transform_0(%arg0: i32) -> (i32, i32) {
    %c0_i32 = arith.constant 0 : i32
    %c0_i32_0 = arith.constant 0 : i32
    return %arg0, %c0_i32 : i32, i32
  }
  func.func @transform_1(%arg0: i32) -> (i32, i32) {
    %c0_i32 = arith.constant 0 : i32
    %c0_i32_0 = arith.constant 0 : i32
    %c0_i32_1 = arith.constant 0 : i32
    return %c0_i32, %c0_i32_0 : i32, i32
  }
  func.func @transform_2(%arg0: i32) -> (i32, i32) {
    %c0_i32 = arith.constant 0 : i32
    %c0_i32_0 = arith.constant 0 : i32
    return %arg0, %c0_i32 : i32, i32
  }
}

module attributes {stable_mosaic.version = 14 : i64} {
  func.func @_lsm_body(%arg0: memref<4096x2xf32, #tpu.memory_space<vmem>>, %arg1: memref<1x2xf32, #tpu.memory_space<vmem>>, %arg2: memref<4096x2xf32, #tpu.memory_space<vmem>>) attributes {dimension_semantics = [], scalar_prefetch = 0 : i64, scratch_operands = 0 : i64, tpu.core_type = #tpu.core_type<tc>} {
    %get3A = arith.constant 0 : index
    %get3A_0 = arith.constant 0 : index
    %get3A_1 = vector.load %arg0[%get3A, %get3A_0] : memref<4096x2xf32, #tpu.memory_space<vmem>>, vector<4096x2xf32>
    %get3A_2 = arith.constant 0 : index
    %get3A_3 = arith.constant 0 : index
    %get3A_4 = vector.load %arg1[%get3A_2, %get3A_3] : memref<1x2xf32, #tpu.memory_space<vmem>>, vector<1x2xf32>
    %add3A = vector.broadcast %get3A_4 : vector<1x2xf32> to vector<4096x2xf32>
    %add3A_5 = arith.addf %get3A_1, %add3A : vector<4096x2xf32>
    %reduce_max3A = arith.constant dense<0xFF800000> : vector<4096xf32>
    %reduce_max3A_6 = vector.multi_reduction <maximumf>, %add3A_5, %reduce_max3A [1] : vector<4096x2xf32> to vector<4096xf32>
    %broadcast_in_dim3A = vector.shape_cast %reduce_max3A_6 : vector<4096xf32> to vector<4096x1xf32>
    %sub3A = vector.broadcast %broadcast_in_dim3A : vector<4096x1xf32> to vector<4096x2xf32>
    %sub3A_7 = arith.subf %add3A_5, %sub3A : vector<4096x2xf32>
    %exp3A = math.exp %sub3A_7 : vector<4096x2xf32>
    %reduce_sum3A = arith.constant dense<0.000000e+00> : vector<4096xf32>
    %reduce_sum3A_8 = vector.multi_reduction <add>, %exp3A, %reduce_sum3A [1] : vector<4096x2xf32> to vector<4096xf32>
    %broadcast_in_dim3A_9 = vector.shape_cast %reduce_sum3A_8 : vector<4096xf32> to vector<4096x1xf32>
    %log3A = math.log %broadcast_in_dim3A_9 : vector<4096x1xf32>
    %sub3A_10 = vector.broadcast %log3A : vector<4096x1xf32> to vector<4096x2xf32>
    %sub3A_11 = arith.subf %sub3A_7, %sub3A_10 : vector<4096x2xf32>
    %swap3A = arith.constant 0 : index
    %swap3A_12 = arith.constant 0 : index
    %swap3A_13 = vector.load %arg2[%swap3A, %swap3A_12] : memref<4096x2xf32, #tpu.memory_space<vmem>>, vector<4096x2xf32>
    tpu.vector_store %arg2[%swap3A, %swap3A_12], %sub3A_11 {strides = array<i32>} : memref<4096x2xf32, #tpu.memory_space<vmem>>, vector<4096x2xf32>,
    return
  }
}

</mosaic_0001>

<sc_bundles>
// kernel: kernel.5.cloned.1.call-start
scs
__scs_entry_jumppad:
0x0: {  	(pc) =	sbr.rel $0x88, $3  }
0x1: {  	(tag) =	ssettag $0x0;
	lr =	simm.s32 $0x1  }
0x2: {  	[smem:$0x3F9D] =	sst lr;
	_ =	strace $0xD0000000  }
0x3: {  	_ = 	snop  }
0x4: {  	_ = 	snop  }
0x5: {  	_ = 	snop  }
0x6: {  	_ = 	snop  }
0x7: {  	_ = 	snop  }
__scs_overlays_trampoline_lowered:
0x8: {  	[smem:$0x3FAC] =	sst s0  }
0x9: {  	[smem:$0x3FAD] =	sst s1  }
0xa: {  	[smem:$0x3FAE] =	sst s2  }
0xb: {  	[smem:$0x3FAF] =	sst s3  }
0xc: {  	[smem:$0x3FB0] =	sst s4  }
0xd: {  	[smem:$0x3FB1] =	sst s5  }
0xe: {  	[smem:$0x3FB2] =	sst s6  }
0xf: {  	[smem:$0x3FB3] =	sst s7  }
0x10: {  	[smem:$0x3FB4] =	sst s8  }
0x11: {  	[smem:$0x3FB5] =	sst s9;
	s0 =	simm.s32 @!p0 $0x0  }
0x12: {  	s1 =	sld [smem:$0x3F9B];
	s0 =	simm.s32 @p0 $0x1  }
0x13: {  	[smem:$0x3FB6] =	sst s0;
	s0 =	simm.s32 @!p1 $0x0  }
0x14: {  	s2 =	sld [smem:$0x3F9A];
	s0 =	simm.s32 @p1 $0x1  }
0x15: {  	[smem:$0x3FB7] =	sst s0;
	s0 =	simm.s32 @!p2 $0x0  }
0x16: {  	s3 =	sld [smem:$0x3FDB];
	s0 =	simm.s32 @p2 $0x1  }
0x17: {  	s4 =	simm.s32 $0x1BF5;
	[smem:$0x3FB9] =	sst s0  }
0x18: {  	s0 =	sld [smem:$0x3F9C];
	_ =	swait.ge [sflag:s4], $0x0  }
0x19: {  	s7 =	sld [smem:$0x3F9D]  }
0x1a: {  	s8 =	sadd.s32 $0xFFFFE003, lr  }
0x1b: {  	s9 =	sadd.s32 $0xFFFFFEF7, lr;
	s5 =	simm.s32 $0xFFFFFFFF;
	p2 =	slt.u32 s8, $0xFFFFF086  }
0x1c: {  	p1 =	slt.u32 s9, $0xF7A;
	s5 =	simm.s32 @!p2 $0x0  }
0x1d: {  	s5 =	simm.s32 @p1 $0x1;
	p0 =	seq.s32 s7, s2  }
0x1e: {  	s7 =	smul.u32 @!p0 $0xF7A, s2;
	p2 =	seq.s32 @!p0 s5, $0x0  }
0x1f: {  	s9 =	smul.u32 $0xF7A, s1;
	s8 =	simm.s32 @!p0 $0x1BF5;
	p2 =	por !p2, p0  }
0x20: {  	[sflag:s8] =	ssyncset.s32 @!p0 $0xFFFFF086;
	s6 =	sadd.s32 @!p0 s3, s7;
	s7 =	simm.s32 @!p0 $0x108  }
0x21: {  	s3 =	sadd.s32 s3, s9;
	s6 =	sadd.s32 @!p0 $0x88, s6;
	s7 =	simm.s32 @p2 $0x1082  }
0x22: {  	[simem:s7], [sflag:s8] =	dma.local @!p0 [hbm:s6], $0xF7A  }
0x23: {  	s9 =	sor.u32 $0xD0000000, s2;
	s6 =	simm.s32 $0x108;
	_ =	swait.ge @!p0 [sflag:s8], $0x0  }
0x24: {  	s3 =	sadd.s32 $0x88, s3;
	s6 =	simm.s32 @!p1 $0x1082;
	[sflag:s4] =	ssyncset.s32 $0xFFFFF086  }
0x25: {  	[simem:s6], [sflag:s4] =	dma.local [hbm:s3], $0xF7A  }
0x26: {  	[smem:$0x3F9D] =	sst s1;
	(tag) =	ssettag s2;
	_ =	strace s9  }
0x27: {  	s1 =	sld [smem:$0x3FAD]  }
0x28: {  	s2 =	sld [smem:$0x3FAE]  }
0x29: {  	s4 =	sld [smem:$0x3FB0]  }
0x2a: {  	p0 =	seq.s32 s5, $0x0;
	s5 =	sld [smem:$0x3FB1]  }
0x2b: {  	s6 =	sld [smem:$0x3FB2]  }
0x2c: {  	s7 =	sld [smem:$0x3FB3]  }
0x2d: {  	s3 =	simm.s32 $0x108;
	s8 =	sld [smem:$0x3FB4]  }
0x2e: {  	s3 =	simm.s32 @!p0 $0x1082;
	s9 =	sld [smem:$0x3FB5]  }
0x2f: {  	lr =	sadd.s32 s0, s3;
	s0 =	sld [smem:$0x3FAC]  }
0x30: {  	s3 =	sld [smem:$0x3FAF]  }
0x31: {  	[smem:$0x3FB8] =	sst s10  }
0x32: {  	s10 =	sld [smem:$0x3FB6];
	_ =	sdelay $0x3  }
0x33: {  	p0 =	seq.s32 s10, $0x1;
	s10 =	sld [smem:$0x3FB8];
	_ =	sdelay $0x3  }
0x34: {  	[smem:$0x3FB8] =	sst s10  }
0x35: {  	s10 =	sld [smem:$0x3FB7];
	_ =	sdelay $0x3  }
0x36: {  	p1 =	seq.s32 s10, $0x1;
	s10 =	sld [smem:$0x3FB8];
	_ =	sdelay $0x3  }
0x37: {  	[smem:$0x3FB8] =	sst s10  }
0x38: {  	s10 =	sld [smem:$0x3FB9]  }
0x39: {  	_ = 	snop;
	(pc) =	sbr.ind lr, $3  }
0x3a: {  	_ = 	snop  }
0x3b: {  	_ = 	snop  }
0x3c: {  	p2 =	seq.s32 s10, $0x1;
	s10 =	sld [smem:$0x3FB8]  }
0x3d: {  	_ =	shalt  }
0x3e: {  	_ =	shalt  }
0x3f: {  	_ =	shalt  }
0x40: {  	_ =	shalt  }
0x41: {  	_ =	shalt  }
0x42: {  	_ =	shalt  }
0x43: {  	_ =	shalt  }
0x44: {  	_ =	shalt  }
0x45: {  	_ =	shalt  }
0x46: {  	_ =	shalt  }
0x47: {  	_ =	shalt  }
0x48: {  	_ =	shalt  }
0x49: {  	_ =	shalt  }
0x4a: {  	_ =	shalt  }
0x4b: {  	_ =	shalt  }
0x4c: {  	_ =	shalt  }
0x4d: {  	_ =	shalt  }
0x4e: {  	_ =	shalt  }
0x4f: {  	_ =	shalt  }
0x50: {  	_ =	shalt  }
0x51: {  	_ =	shalt  }
0x52: {  	_ =	shalt  }
0x53: {  	_ =	shalt  }
0x54: {  	_ =	shalt  }
0x55: {  	_ =	shalt  }
0x56: {  	_ =	shalt  }
0x57: {  	_ =	shalt  }
0x58: {  	_ =	shalt  }
0x59: {  	_ =	shalt  }
0x5a: {  	_ =	shalt  }
0x5b: {  	_ =	shalt  }
0x5c: {  	_ =	shalt  }
0x5d: {  	_ =	shalt  }
0x5e: {  	_ =	shalt  }
0x5f: {  	_ =	shalt  }
0x60: {  	_ =	shalt  }
0x61: {  	_ =	shalt  }
0x62: {  	_ =	shalt  }
0x63: {  	_ =	shalt  }
0x64: {  	_ =	shalt  }
0x65: {  	_ =	shalt  }
0x66: {  	_ =	shalt  }
0x67: {  	_ =	shalt  }
0x68: {  	_ =	shalt  }
0x69: {  	_ =	shalt  }
0x6a: {  	_ =	shalt  }
0x6b: {  	_ =	shalt  }
0x6c: {  	_ =	shalt  }
0x6d: {  	_ =	shalt  }
0x6e: {  	_ =	shalt  }
0x6f: {  	_ =	shalt  }
0x70: {  	_ =	shalt  }
0x71: {  	_ =	shalt  }
0x72: {  	_ =	shalt  }
0x73: {  	_ =	shalt  }
0x74: {  	_ =	shalt  }
0x75: {  	_ =	shalt  }
0x76: {  	_ =	shalt  }
0x77: {  	_ =	shalt  }
0x78: {  	_ =	shalt  }
0x79: {  	_ =	shalt  }
0x7a: {  	_ =	shalt  }
0x7b: {  	_ =	shalt  }
0x7c: {  	_ =	shalt  }
0x7d: {  	_ =	shalt  }
0x7e: {  	_ =	shalt  }
0x7f: {  	_ =	shalt  }
0x80: {  	_ =	shalt  }
0x81: {  	_ =	shalt  }
0x82: {  	_ =	shalt  }
0x83: {  	_ =	shalt  }
0x84: {  	_ =	shalt  }
0x85: {  	_ =	shalt  }
0x86: {  	_ =	shalt  }
0x87: {  	_ =	shalt  }
.Lfunc_end0:
.L_simem_size_0:
called_computation.2_lowered:
.L_overlay_start_0:
0x88: {  	s2 =	sld [smem:$0x3FD9]  }
0x89: {  	s3 =	sld [smem:$0x3FFE];
	_ =	sdelay $0x1  }
0x8a: {  	s1 =	srdreg.scid  }
0x8b: {  	s0 =	sand.u32 $0x1, s1  }
0x8c: {  	s17 =	sshll.u32 s0, $0xA;
	s2 =	sadd.s32 s3, s2  }
0x8d: {  	s2 =	sadd.s32 s2, s17  }
0x8e: {  	[smem:$0x3FC4] =	sst s2  }
0x8f: {  	_ = 	snop  }
0x90: {  	s2 =	sld [smem:$0x3FD0];
	(tm) =	ssettm $0x1  }
0x91: {  	s18 =	sld [smem:$0x3FFB];
	_ =	sdelay $0x3  }
0x92: {  	_ =	strace s18  }
0x93: {  	s3 =	sld [smem:$0x3FFC];
	_ =	sdelay $0x3  }
0x94: {  	_ =	strace s3  }
0x95: {  	s3 =	sld [smem:$0x3FFD];
	_ =	sdelay $0x3  }
0x96: {  	_ =	strace s3  }
0x97: {  	_ =	strace $0x8FFFFFFF  }
0x98: {  	s19 =	sld [smem:$0x3FDB];
	_ =	sdelay $0x1  }
0x99: {  	s4 =	simm.s32 $_scs_section_size  }
0x9a: {  	s5 =	simm.s32 $_size__tile_overlayer_lowered;
	s6 =	simm.s32 $_tile_overlayer_lowered  }
0x9b: {  	s22 =	simm.s32 $0x1BFF;
	s21 =	sshll.u32 s6, $0x1;
	s3 =	sadd.s32 s4, s19  }
0x9c: {  	s7 =	simm.s32 $0x0;
	s20 =	sshll.u32 s5, $0x1;
	s5 =	sadd.s32 s21, s3  }
0x9d: {  	[timem:s7], [sflag:s22] =	dma.local [hbm:s5], s20  }
0x9e: {  	_ =	swait.ge [sflag:s22], s20  }
0x9f: {  	s4 =	ssub.s32 $0x0, s20;
	[sflag:s22] =	ssyncset.done $0x0  }
0xa0: {  	[sflag:s22] =	ssyncadd.s32 s4;
	_ =	sdelay $0x1  }
0xa1: {  	s23 =	simm.s32 $0x1B8B  }
0xa2: {  	_ =	swait.ge [sflag:s23], $0x1  }
0xa3: {  	[sflag:s23] =	ssyncset.done $0x0  }
0xa4: {  	s25 =	simm.s32 $0x1B8E;
	s24 =	sld [smem:$0x3FFE];
	[sflag:s23] =	ssyncadd.s32 $0xFFFFFFFF  }
0xa5: {  	s26 =	simm.s32 $execute0_lowered;
	[smem:$0x3FD2] =	sst s25  }
0xa6: {  	s5 =	sshll.u32 s26, $0x1;
	_ =	strace $0x8000004C;
	[dreg:$0x1] =	wrdreg $0xFFFFFFFF  }
0xa7: {  	s28 =	simm.s32 $_size_execute0_lowered;
	s3 =	sadd.s32 s3, s5;
	[dreg:$0x0] =	wrdreg $0x0  }
0xa8: {  	s5 =	sshll.u32 s28, $0x1;
	[dreg:$0x2] =	wrdreg s3  }
0xa9: {  	[dreg:$0x3] =	wrdreg s5  }
0xaa: {  	[dreg:$0x4] =	wrdreg $0xC0  }
0xab: {  	_ =	task [dreg:s7], $0x5FFFF  }
0xac: {  	[dreg:$0x1] =	wrdreg $0xFFFFFFFF  }
0xad: {  	[dreg:$0x0] =	wrdreg $0x60  }
0xae: {  	[dreg:$0x2] =	wrdreg s24  }
0xaf: {  	[dreg:$0x3] =	wrdreg s2  }
0xb0: {  	[dreg:$0x4] =	wrdreg $0x9  }
0xb1: {  	_ =	task.clear_ibuf [dreg:s7], $0x5FFFF;
	_ =	strace $0x9000004C  }
0xb2: {  	s29 =	simm.s32 $0x9;
	_ =	strace $0x8000004E  }
0xb3: {  	_ =	swait.ge [sflag:s29], $0x1  }
0xb4: {  	[sflag:s29] =	ssyncadd.s32 $0xFFFFFFFF  }
0xb5: {  	_ =	strace $0x9000004E  }
0xb6: {  	_ =	sfence  }
0xb7: {  	s30 =	sld [smem:$0x0];
	_ =	sdelay $0x2  }
0xb8: {  	s31 =	sshll.u32 s1, $0xD;
	s1 =	sshrl.u32 s1, $0x2  }
0xb9: {  	s3 =	sand.u32 $0x4000, s31;
	s1 =	sadd.s32 s1, s30  }
0xba: {  	s0 =	sor.u32 s3, s0;
	s1 =	sshll.u32 s1, $0x11  }
0xbb: {  	s0 =	sor.u32 s1, s0  }
0xbc: {  	s0 =	sadd.s32 $0x8F2B, s0  }
0xbd: {  	[sflag:s0] =	ssyncadd.remote.s32 $0x1  }
0xbe: {  	_ =	sfence.sel $0xFFFF  }
0xbf: {  	[dreg:$0x0] =	wrdreg $0xFFFFFFFF;
	(pc) =	sbr.abs _section_cstart, $3  }
0xc0: {  	[dreg:$0x1] =	wrdreg $0xFFFFFFFF  }
0xc1: {  	_ =	task.clear_ibuf [dreg:s7], $0x2FFFF;
	_ =	strace $0x9FFFFFFF  }
0xc2: {  	(tm) =	ssettm $0x7FFFFFFF  }
0xc3: {  	_ =	shalt  }
tec
execute0_lowered:
.L_overlay_start_1:
0x0: {  	(tag) =	ssettag $0x1  }
0x1: {  	s4 =	rddreg [dreg:$0x0]  }
0x2: {  	s5 =	rddreg [dreg:$0x1]  }
0x3: {  	s0 =	rddreg [dreg:$0x2];
	s2 =	simm.s32 $0x0;
	s3 =	srdreg.scid  }
0x4: {  	s1 =	stileid.u32;
	s10 =	simm.s32 $0x8000;
	s11 =	simm.s32 $0x3000  }
0x5: {  	s12 =	simm.s32 $0x2;
	s13 =	simm.s32 $0x80;
	s14 =	simm.s32 $0x1  }
0x6: {  	s15 =	simm.s32 $0x6600;
	s16 =	simm.s32 $0x6680;
	s17 =	simm.s32 $0x0  }
0x7: {  	[smem:$0x7FF] =	sst s2;
	s6 =	sand.u32 $0x1, s3;
	s7 =	sshll.u32 s1, $0x8  }
0x8: {  	s3 =	sadd.s32 $0xE00, s4;
	s8 =	sshll.u32 s6, $0x7;
	s6 =	ssub.s32 $0x2, s6  }
0x9: {  	_ =	strace $0x8000004D;
	s7 =	sor.u32 s8, s7;
	s31 =	sshrl.u32 s6, $0x1  }
0xa: {  	s8 =	sadd.s32 s7, s4;
	s7 =	sshrl.u32 s7, $0x3;
	s9 =	ssub.s32 s6, s31  }
0xb: {  	s4 =	sadd.s32 $0x2C5400, s8;
	s5 =	sadd.s32 s5, s7;
	s6 =	sadd.s32 $0x2D1400, s8  }
0xc: {  	s8 =	smax.u32 s9, $0x1;
	s9 =	simm.s32 $0x400;
	s7 =	sadd.s32 $0x200, s5  }
.LBB2_1:
0xd: {  	[tilespmem:s2], [sflag:$0x2] =	stream.strided.gather [hbm4b:s4+s9], $0x3000, s10, s9, $0x38;
	[tilespmem:$0x6700] =	vst v63  }
0xe: {  	_ = 	snop  }
0xf: {  	[tilespmem:s11], [sflag:$0x2] =	stream.linear.gather [hbm4b:s6+s2], $0x200, $0x38;
	[tilespmem:$0x6700] =	vst v63  }
0x10: {  	_ =	swait.ge [sflag:s12], $0x3200  }
0x11: {  	[sflag:s12] =	ssyncset.done $0x0  }
0x12: {  	s18 =	simm.s32 $0x0;
	s19 =	simm.s32 $0x3400;
	[sflag:s12] =	ssyncadd.s32 $0xFFFFCE00  }
0x13: {  	[tilespmem:s19], [sflag:$0x1] =	stream.indirect.gather [hbm4b:s3+s13], $0x1, s18, s13, $0xb8;
	[tilespmem:$0x6700] =	vst v63  }
0x14: {  	s25 =	simm.s32 $0x3480;
	s26 =	simm.s32 $0x80  }
0x15: {  	[tilespmem:s25], [sflag:$0x1] =	stream.indirect.gather [hbm4b:s3+s13], $0x1, s26, s13, $0xb8;
	[tilespmem:$0x6700] =	vst v63  }
0x16: {  	s28 =	simm.s32 $0x3500;
	s29 =	simm.s32 $0x100  }
0x17: {  	[tilespmem:s28], [sflag:$0x1] =	stream.indirect.gather [hbm4b:s3+s13], $0x1, s29, s13, $0xb8;
	[tilespmem:$0x6700] =	vst v63  }
0x18: {  	s30 =	simm.s32 $0x3580;
	s31 =	simm.s32 $0x180  }
0x19: {  	[tilespmem:s30], [sflag:$0x1] =	stream.indirect.gather [hbm4b:s3+s13], $0x1, s31, s13, $0xb8;
	[tilespmem:$0x6700] =	vst v63  }
0x1a: {  	s20 =	simm.s32 $0x200;
	s19 =	simm.s32 $0x3600  }
0x1b: {  	[tilespmem:s19], [sflag:$0x1] =	stream.indirect.gather [hbm4b:s3+s13], $0x1, s20, s13, $0xb8;
	[tilespmem:$0x6700] =	vst v63  }
0x1c: {  	s21 =	simm.s32 $0x3680;
	s22 =	simm.s32 $0x280  }
0x1d: {  	[tilespmem:s21], [sflag:$0x1] =	stream.indirect.gather [hbm4b:s3+s13], $0x1, s22, s13, $0xb8;
	[tilespmem:$0x6700] =	vst v63  }
0x1e: {  	s23 =	simm.s32 $0x3700;
	s24 =	simm.s32 $0x300  }
0x1f: {  	[tilespmem:s23], [sflag:$0x1] =	stream.indirect.gather [hbm4b:s3+s13], $0x1, s24, s13, $0xb8;
	[tilespmem:$0x6700] =	vst v63  }
0x20: {  	s25 =	simm.s32 $0x3780;
	s26 =	simm.s32 $0x380  }
0x21: {  	[tilespmem:s25], [sflag:$0x1] =	stream.indirect.gather [hbm4b:s3+s13], $0x1, s26, s13, $0xb8;
	[tilespmem:$0x6700] =	vst v63  }
0x22: {  	s28 =	simm.s32 $0x3800;
	s29 =	simm.s32 $0x400  }
0x23: {  	[tilespmem:s28], [sflag:$0x1] =	stream.indirect.gather [hbm4b:s3+s13], $0x1, s29, s13, $0xb8;
	[tilespmem:$0x6700] =	vst v63  }
0x24: {  	s30 =	simm.s32 $0x3880;
	s31 =	simm.s32 $0x480  }
0x25: {  	[tilespmem:s30], [sflag:$0x1] =	stream.indirect.gather [hbm4b:s3+s13], $0x1, s31, s13, $0xb8;
	[tilespmem:$0x6700] =	vst v63  }
0x26: {  	_ =	swait.ge [sflag:s14], $0x80  }
0x27: {  	[sflag:s14] =	ssyncset.done $0x0  }
0x28: {  	[sflag:s14] =	ssyncadd.s32 $0xFFFFFF80  }
0x29: {  	_ =	swait.ge [sflag:s14], $0x80  }
0x2a: {  	[sflag:s14] =	ssyncset.done $0x0  }
0x2b: {  	[sflag:s14] =	ssyncadd.s32 $0xFFFFFF80  }
0x2c: {  	_ =	swait.ge [sflag:s14], $0x80  }
0x2d: {  	[sflag:s14] =	ssyncset.done $0x0  }
0x2e: {  	[sflag:s14] =	ssyncadd.s32 $0xFFFFFF80  }
0x2f: {  	_ =	swait.ge [sflag:s14], $0x80  }
0x30: {  	[sflag:s14] =	ssyncset.done $0x0  }
0x31: {  	[sflag:s14] =	ssyncadd.s32 $0xFFFFFF80  }
0x32: {  	_ =	swait.ge [sflag:s14], $0x80  }
0x33: {  	[sflag:s14] =	ssyncset.done $0x0  }
0x34: {  	[sflag:s14] =	ssyncadd.s32 $0xFFFFFF80  }
0x35: {  	_ =	swait.ge [sflag:s14], $0x80  }
0x36: {  	[sflag:s14] =	ssyncset.done $0x0  }
0x37: {  	[sflag:s14] =	ssyncadd.s32 $0xFFFFFF80  }
0x38: {  	_ =	swait.ge [sflag:s14], $0x80  }
0x39: {  	[sflag:s14] =	ssyncset.done $0x0  }
0x3a: {  	[sflag:s14] =	ssyncadd.s32 $0xFFFFFF80  }
0x3b: {  	_ =	swait.ge [sflag:s14], $0x80  }
0x3c: {  	[sflag:s14] =	ssyncset.done $0x0  }
0x3d: {  	[sflag:s14] =	ssyncadd.s32 $0xFFFFFF80  }
0x3e: {  	_ =	swait.ge [sflag:s14], $0x80  }
0x3f: {  	[sflag:s14] =	ssyncset.done $0x0  }
0x40: {  	[sflag:s14] =	ssyncadd.s32 $0xFFFFFF80  }
0x41: {  	_ =	swait.ge [sflag:s14], $0x80  }
0x42: {  	s20 =	simm.s32 $0x500;
	s21 =	simm.s32 $0x2800;
	[sflag:s14] =	ssyncset.done $0x0  }
.LBB2_2:
0x43: {  	s22 =	sadd.s32 $0x3400, s20  }
0x44: {  	[sflag:s14] =	ssyncadd.s32 $0xFFFFFF80;
	s19 =	smov.u32 s21;
	s18 =	sadd.s32 $0x1400, s21  }
0x45: {  	[tilespmem:s22], [sflag:$0x1] =	stream.indirect.gather [hbm4b:s3+s13], $0x1, s20, s13, $0xb8;
	[tilespmem:$0x6700] =	vst v63  }
0x46: {  	p0 =	sne.s32 s21, $0xB400;
	s21 =	sadd.s32 $0x3480, s20;
	s22 =	sadd.s32 $0x80, s20  }
0x47: {  	[tilespmem:s21], [sflag:$0x1] =	stream.indirect.gather [hbm4b:s3+s13], $0x1, s22, s13, $0xb8;
	[tilespmem:$0x6700] =	vst v63  }
0x48: {  	s21 =	sadd.s32 $0x3500, s20;
	s22 =	sadd.s32 $0x100, s20  }
0x49: {  	[tilespmem:s21], [sflag:$0x1] =	stream.indirect.gather [hbm4b:s3+s13], $0x1, s22, s13, $0xb8;
	[tilespmem:$0x6700] =	vst v63  }
0x4a: {  	s21 =	sadd.s32 $0x3580, s20;
	s22 =	sadd.s32 $0x180, s20  }
0x4b: {  	[tilespmem:s21], [sflag:$0x1] =	stream.indirect.gather [hbm4b:s3+s13], $0x1, s22, s13, $0xb8;
	[tilespmem:$0x6700] =	vst v63  }
0x4c: {  	s21 =	sadd.s32 $0x3600, s20;
	s22 =	sadd.s32 $0x200, s20  }
0x4d: {  	[tilespmem:s21], [sflag:$0x1] =	stream.indirect.gather [hbm4b:s3+s13], $0x1, s22, s13, $0xb8;
	[tilespmem:$0x6700] =	vst v63  }
0x4e: {  	s21 =	sadd.s32 $0x3680, s20;
	s22 =	sadd.s32 $0x280, s20  }
0x4f: {  	[tilespmem:s21], [sflag:$0x1] =	stream.indirect.gather [hbm4b:s3+s13], $0x1, s22, s13, $0xb8;
	[tilespmem:$0x6700] =	vst v63  }
0x50: {  	s21 =	sadd.s32 $0x3700, s20;
	s22 =	sadd.s32 $0x300, s20  }
0x51: {  	[tilespmem:s21], [sflag:$0x1] =	stream.indirect.gather [hbm4b:s3+s13], $0x1, s22, s13, $0xb8;
	[tilespmem:$0x6700] =	vst v63  }
0x52: {  	s21 =	sadd.s32 $0x3780, s20;
	s22 =	sadd.s32 $0x380, s20  }
0x53: {  	[tilespmem:s21], [sflag:$0x1] =	stream.indirect.gather [hbm4b:s3+s13], $0x1, s22, s13, $0xb8;
	[tilespmem:$0x6700] =	vst v63  }
0x54: {  	s21 =	sadd.s32 $0x3800, s20;
	s22 =	sadd.s32 $0x400, s20  }
0x55: {  	[tilespmem:s21], [sflag:$0x1] =	stream.indirect.gather [hbm4b:s3+s13], $0x1, s22, s13, $0xb8;
	[tilespmem:$0x6700] =	vst v63  }
0x56: {  	s21 =	sadd.s32 $0x3880, s20;
	s20 =	sadd.s32 $0x480, s20  }
0x57: {  	[tilespmem:s21], [sflag:$0x1] =	stream.indirect.gather [hbm4b:s3+s13], $0x1, s20, s13, $0xb8;
	[tilespmem:$0x6700] =	vst v63  }
0x58: {  	_ =	swait.ge [sflag:s14], $0x80  }
0x59: {  	[sflag:s14] =	ssyncset.done $0x0  }
0x5a: {  	[sflag:s14] =	ssyncadd.s32 $0xFFFFFF80  }
0x5b: {  	_ =	swait.ge [sflag:s14], $0x80  }
0x5c: {  	[sflag:s14] =	ssyncset.done $0x0  }
0x5d: {  	[sflag:s14] =	ssyncadd.s32 $0xFFFFFF80  }
0x5e: {  	_ =	swait.ge [sflag:s14], $0x80  }
0x5f: {  	[sflag:s14] =	ssyncset.done $0x0  }
0x60: {  	[sflag:s14] =	ssyncadd.s32 $0xFFFFFF80  }
0x61: {  	_ =	swait.ge [sflag:s14], $0x80  }
0x62: {  	[sflag:s14] =	ssyncset.done $0x0  }
0x63: {  	[sflag:s14] =	ssyncadd.s32 $0xFFFFFF80  }
0x64: {  	_ =	swait.ge [sflag:s14], $0x80  }
0x65: {  	[sflag:s14] =	ssyncset.done $0x0  }
0x66: {  	[sflag:s14] =	ssyncadd.s32 $0xFFFFFF80  }
0x67: {  	_ =	swait.ge [sflag:s14], $0x80  }
0x68: {  	[sflag:s14] =	ssyncset.done $0x0  }
0x69: {  	[sflag:s14] =	ssyncadd.s32 $0xFFFFFF80  }
0x6a: {  	_ =	swait.ge [sflag:s14], $0x80  }
0x6b: {  	[sflag:s14] =	ssyncset.done $0x0  }
0x6c: {  	[sflag:s14] =	ssyncadd.s32 $0xFFFFFF80  }
0x6d: {  	_ =	swait.ge [sflag:s14], $0x80  }
0x6e: {  	[sflag:s14] =	ssyncset.done $0x0  }
0x6f: {  	[sflag:s14] =	ssyncadd.s32 $0xFFFFFF80  }
.Ltmp0:
0x70: {  	_ =	swait.ge [sflag:s14], $0x80;
	(pc) =	sbr.rel @p0 .LBB2_2-.Ltmp0, $4  }
0x71: {  	[sflag:s14] =	ssyncset.done $0x0  }
0x72: {  	[sflag:s14] =	ssyncadd.s32 $0xFFFFFF80  }
0x73: {  	_ =	swait.ge [sflag:s14], $0x80  }
0x74: {  	s20 =	sshra.s32 s19, $0x2;
	s21 =	smov.u32 s18;
	[sflag:s14] =	ssyncset.done $0x0  }
0x75: {  	s18 =	sadd.s32 $0x3400, s20;
	[sflag:s14] =	ssyncadd.s32 $0xFFFFFF80  }
0x76: {  	[tilespmem:s18], [sflag:$0x1] =	stream.indirect.gather [hbm4b:s3+s13], $0x1, s20, s13, $0xb8;
	[tilespmem:$0x6700] =	vst v63  }
0x77: {  	s24 =	sadd.s32 $0x3480, s20;
	s19 =	sadd.s32 $0x80, s20  }
0x78: {  	[tilespmem:s24], [sflag:$0x1] =	stream.indirect.gather [hbm4b:s3+s13], $0x1, s19, s13, $0xb8;
	[tilespmem:$0x6700] =	vst v63  }
0x79: {  	s25 =	sadd.s32 $0x3500, s20;
	s26 =	sadd.s32 $0x100, s20  }
0x7a: {  	[tilespmem:s25], [sflag:$0x1] =	stream.indirect.gather [hbm4b:s3+s13], $0x1, s26, s13, $0xb8;
	[tilespmem:$0x6700] =	vst v63  }
0x7b: {  	s28 =	sadd.s32 $0x3580, s20;
	s29 =	sadd.s32 $0x180, s20  }
0x7c: {  	[tilespmem:s28], [sflag:$0x1] =	stream.indirect.gather [hbm4b:s3+s13], $0x1, s29, s13, $0xb8;
	[tilespmem:$0x6700] =	vst v63  }
0x7d: {  	s30 =	sadd.s32 $0x3600, s20;
	s31 =	sadd.s32 $0x200, s20  }
0x7e: {  	[tilespmem:s30], [sflag:$0x1] =	stream.indirect.gather [hbm4b:s3+s13], $0x1, s31, s13, $0xb8;
	[tilespmem:$0x6700] =	vst v63  }
0x7f: {  	s21 =	sadd.s32 $0x280, s20;
	s19 =	sadd.s32 $0x3680, s20  }
0x80: {  	[tilespmem:s19], [sflag:$0x1] =	stream.indirect.gather [hbm4b:s3+s13], $0x1, s21, s13, $0xb8;
	[tilespmem:$0x6700] =	vst v63  }
0x81: {  	s22 =	sadd.s32 $0x3700, s20;
	s23 =	sadd.s32 $0x300, s20  }
0x82: {  	[tilespmem:s22], [sflag:$0x1] =	stream.indirect.gather [hbm4b:s3+s13], $0x1, s23, s13, $0xb8;
	[tilespmem:$0x6700] =	vst v63  }
0x83: {  	s24 =	sadd.s32 $0x3780, s20;
	s25 =	sadd.s32 $0x380, s20  }
0x84: {  	[tilespmem:s24], [sflag:$0x1] =	stream.indirect.gather [hbm4b:s3+s13], $0x1, s25, s13, $0xb8;
	[tilespmem:$0x6700] =	vst v63  }
0x85: {  	s26 =	sadd.s32 $0x3800, s20;
	s28 =	sadd.s32 $0x400, s20  }
0x86: {  	[tilespmem:s26], [sflag:$0x1] =	stream.indirect.gather [hbm4b:s3+s13], $0x1, s28, s13, $0xb8;
	[tilespmem:$0x6700] =	vst v63  }
0x87: {  	s29 =	sadd.s32 $0x3880, s20;
	s30 =	sadd.s32 $0x480, s20  }
0x88: {  	[tilespmem:s29], [sflag:$0x1] =	stream.indirect.gather [hbm4b:s3+s13], $0x1, s30, s13, $0xb8;
	[tilespmem:$0x6700] =	vst v63  }
0x89: {  	_ =	swait.ge [sflag:s14], $0x80  }
0x8a: {  	[sflag:s14] =	ssyncset.done $0x0  }
0x8b: {  	[sflag:s14] =	ssyncadd.s32 $0xFFFFFF80  }
0x8c: {  	_ =	swait.ge [sflag:s14], $0x80  }
0x8d: {  	[sflag:s14] =	ssyncset.done $0x0  }
0x8e: {  	[sflag:s14] =	ssyncadd.s32 $0xFFFFFF80  }
0x8f: {  	_ =	swait.ge [sflag:s14], $0x80  }
0x90: {  	[sflag:s14] =	ssyncset.done $0x0  }
0x91: {  	[sflag:s14] =	ssyncadd.s32 $0xFFFFFF80  }
0x92: {  	_ =	swait.ge [sflag:s14], $0x80  }
0x93: {  	[sflag:s14] =	ssyncset.done $0x0  }
0x94: {  	[sflag:s14] =	ssyncadd.s32 $0xFFFFFF80  }
0x95: {  	_ =	swait.ge [sflag:s14], $0x80  }
0x96: {  	[sflag:s14] =	ssyncset.done $0x0  }
0x97: {  	[sflag:s14] =	ssyncadd.s32 $0xFFFFFF80  }
0x98: {  	_ =	swait.ge [sflag:s14], $0x80  }
0x99: {  	[sflag:s14] =	ssyncset.done $0x0  }
0x9a: {  	[sflag:s14] =	ssyncadd.s32 $0xFFFFFF80  }
0x9b: {  	_ =	swait.ge [sflag:s14], $0x80  }
0x9c: {  	[sflag:s14] =	ssyncset.done $0x0  }
0x9d: {  	[sflag:s14] =	ssyncadd.s32 $0xFFFFFF80  }
0x9e: {  	_ =	swait.ge [sflag:s14], $0x80  }
0x9f: {  	[sflag:s14] =	ssyncset.done $0x0  }
0xa0: {  	[sflag:s14] =	ssyncadd.s32 $0xFFFFFF80  }
0xa1: {  	_ =	swait.ge [sflag:s14], $0x80  }
0xa2: {  	[sflag:s14] =	ssyncset.done $0x0  }
0xa3: {  	[sflag:s14] =	ssyncadd.s32 $0xFFFFFF80  }
0xa4: {  	_ =	swait.ge [sflag:s14], $0x80  }
0xa5: {  	[sflag:s14] =	ssyncset.done $0x0  }
0xa6: {  	s31 =	simm.s32 $0x0;
	[sflag:s14] =	ssyncadd.s32 $0xFFFFFF80  }
0xa7: {  	v1 =	vld [tilespmem:s31+$0x3450]  }
0xa8: {  	v3 =	vld [tilespmem:s31+$0x3440]  }
0xa9: {  	v4 =	vld [tilespmem:s31+$0x3470]  }
0xaa: {  	v0 =	vimm.f32 $0.0e+00;
	v13 =	vimm.f32 $0.0e+00;
	v6 =	vld [tilespmem:s31+$0x3460]  }
0xab: {  	v14 =	vimm.f32 $0.0e+00;
	v18 =	vimm.f32 $0.0e+00;
	v10 =	vimm.f32 $0.0e+00  }
0xac: {  	v15 =	vimm.f32 $0.0e+00;
	v8 =	vimm.f32 $0.0e+00;
	v20 =	vimm.f32 $0.0e+00  }
0xad: {  	v7 =	vimm.f32 $0.0e+00;
	v16 =	vimm.f32 $0.0e+00;
	v11 =	vimm.f32 $0.0e+00;
	v22 =	vld [tilespmem:s31+$0x3410]  }
0xae: {  	v19 =	vld [tilespmem:s31+$0x3420];
	v2 =	vshll.u32 v3, $0x10;
	v17 =	vshll.u32 v4, $0x10;
	v12 =	vand.u32 $0xFFFF0000, v4  }
0xaf: {  	v24 =	vld [tilespmem:s31+$0x3400];
	v9 =	vand.u32 $0xFFFF0000, v3;
	v3 =	vshll.u32 v1, $0x10;
	v5 =	vand.u32 $0xFFFF0000, v6  }
0xb0: {  	v23 =	vld [tilespmem:s31+$0x3430];
	v21 =	vand.u32 $0xFFFF0000, v1;
	v2 =	vadd.f32 v2, v0;
	v4 =	vadd.f32 v3, v0  }
0xb1: {  	s18 =	simm.s32 $0x200;
	v1 =	vadd.f32 v5, v0;
	v3 =	vimm.f32 $0.0e+00;
	v5 =	vimm.f32 $0.0e+00  }
.LBB2_4:
0xb2: {  	s19 =	sshra.s32 s18, $0x2;
	p0 =	sne.s32 s18, $0xC600;
	s18 =	sadd.s32 $0x200, s18;
	v25 =	vshll.u32 v22, $0x10;
	v0 =	vadd.f32 v17, v0;
	v3 =	vadd.f32 v12, v3  }
0xb3: {  	v12 =	vand.u32 $0xFFFF0000, v22;
	v17 =	vand.u32 $0xFFFF0000, v19;
	v5 =	vadd.f32 v21, v5;
	v26 =	vld [tilespmem:s19+$0x3450]  }
0xb4: {  	v13 =	vadd.f32 v25, v13;
	v21 =	vld [tilespmem:s19+$0x3440];
	v27 =	vshll.u32 v24, $0x10;
	v22 =	vand.u32 $0xFFFF0000, v24  }
0xb5: {  	v14 =	vadd.f32 v12, v14;
	v12 =	vshll.u32 v19, $0x10;
	v25 =	vld [tilespmem:s19+$0x3470];
	v24 =	vshll.u32 v23, $0x10  }
0xb6: {  	v10 =	vadd.f32 v17, v10;
	v18 =	vadd.f32 v22, v18;
	v17 =	vand.u32 $0xFFFF0000, v23;
	v28 =	vld [tilespmem:s19+$0x3460]  }
0xb7: {  	v8 =	vadd.f32 v9, v8;
	v6 =	vshll.u32 v6, $0x10;
	v15 =	vadd.f32 v12, v15;
	v22 =	vld [tilespmem:s19+$0x3410]  }
.Ltmp1:
0xb8: {  	v7 =	vadd.f32 v6, v7;
	v20 =	vadd.f32 v27, v20;
	v19 =	vld [tilespmem:s19+$0x3420];
	(pc) =	sbr.rel @p0 .LBB2_4-.Ltmp1, $4  }
0xb9: {  	v16 =	vadd.f32 v24, v16;
	v11 =	vadd.f32 v17, v11;
	v29 =	vshll.u32 v21, $0x10  }
0xba: {  	v24 =	vld [tilespmem:s19+$0x3400];
	v2 =	vadd.f32 v29, v2;
	v17 =	vshll.u32 v25, $0x10;
	v12 =	vand.u32 $0xFFFF0000, v25  }
0xbb: {  	v9 =	vand.u32 $0xFFFF0000, v21;
	v25 =	vshll.u32 v26, $0x10;
	v23 =	vld [tilespmem:s19+$0x3430];
	v27 =	vand.u32 $0xFFFF0000, v28;
	v6 =	vmovc v28  }
0xbc: {  	v21 =	vand.u32 $0xFFFF0000, v26;
	v4 =	vadd.f32 v25, v4;
	v1 =	vadd.f32 v27, v1  }
0xbd: {  	[tilespmem:$0x6640] =	vst v2  }
0xbe: {  	v8 =	vadd.f32 v9, v8;
	[tilespmem:$0x6650] =	vst v4  }
0xbf: {  	v61 =	vadd.f32 v21, v5;
	[tilespmem:$0x66E0] =	vst v1  }
0xc0: {  	v0 =	vadd.f32 v17, v0;
	[tilespmem:$0x66C0] =	vst v8  }
0xc1: {  	v55 =	vshll.u32 v22, $0x10;
	v63 =	vadd.f32 v12, v3;
	[tilespmem:$0x66D0] =	vst v61  }
0xc2: {  	v56 =	vand.u32 $0xFFFF0000, v22;
	v13 =	vadd.f32 v55, v13;
	[tilespmem:$0x6670] =	vst v0  }
0xc3: {  	v57 =	vshll.u32 v19, $0x10;
	v14 =	vadd.f32 v56, v14;
	[tilespmem:$0x66F0] =	vst v63  }
0xc4: {  	v58 =	vand.u32 $0xFFFF0000, v19;
	v15 =	vadd.f32 v57, v15;
	[tilespmem:$0x6610] =	vst v13  }
0xc5: {  	v62 =	vshll.u32 v6, $0x10;
	v10 =	vadd.f32 v58, v10;
	[tilespmem:$0x6690] =	vst v14  }
0xc6: {  	v5 =	vadd.f32 v62, v7;
	v25 =	vshll.u32 v24, $0x10;
	[tilespmem:$0x6620] =	vst v15  }
0xc7: {  	v54 =	vand.u32 $0xFFFF0000, v24;
	v20 =	vadd.f32 v25, v20;
	[tilespmem:$0x66A0] =	vst v10  }
0xc8: {  	v18 =	vadd.f32 v54, v18;
	v59 =	vshll.u32 v23, $0x10;
	[tilespmem:$0x6660] =	vst v5  }
0xc9: {  	v60 =	vand.u32 $0xFFFF0000, v23;
	v13 =	vadd.f32 v59, v16;
	[tilespmem:$0x6600] =	vst v20  }
0xca: {  	v11 =	vadd.f32 v60, v11;
	[tilespmem:$0x6680] =	vst v18  }
0xcb: {  	[tilespmem:$0x6630] =	vst v13  }
0xcc: {  	[tilespmem:$0x66B0] =	vst v11  }
0xcd: {  	[hbm4b:s5+s2] =	stream.linear.scatter [tilespmem:s15], [sflag:$0x2], $0x80, $0x38;
	[tilespmem:$0x6700] =	vst v63  }
0xce: {  	s17 =	sadd.s32 $0x1, s17;
	_ =	swait.ge [sflag:s12], $0x80  }
0xcf: {  	p0 =	sne.s32 s17, s8;
	[sflag:s12] =	ssyncset.done $0x0  }
.Ltmp2:
0xd0: {  	[sflag:s12] =	ssyncadd.s32 $0xFFFFFF80;
	(pc) =	sbr.rel @p0 .LBB2_1-.Ltmp2, $4  }
0xd1: {  	[hbm4b:s7+s2] =	stream.linear.scatter [tilespmem:s16], [sflag:$0x2], $0x80, $0x38;
	[tilespmem:$0x6700] =	vst v63  }
0xd2: {  	_ =	swait.ge [sflag:s12], $0x80  }
0xd3: {  	[sflag:s12] =	ssyncset.done $0x0  }
0xd4: {  	[sflag:s12] =	ssyncadd.s32 $0xFFFFFF80  }
0xd5: {  	_ =	sfence.sel $0x180000  }
0xd6: {  	[bflag:$0x0] =	sbarrier.arrive $0xFFFF  }
0xd7: {  	p0 =	sne.s32 s1, $0x0;
	_ =	strace $0x9000004D  }
0xd8: {  	s0 =	sadd.s32 @!p0 $0x100000, s0;
	[bflag:$0x2] =	sbarrier.arrive $0xFFFF  }
0xd9: {  	[sflag:s0] =	ssyncadd.tile.s32 @!p0 $0x1;
	_ =	shalt  }
.Lfunc_end2:
_tile_overlayer_lowered:
.L_overlay_start_2:
0xda: {  	(tag) =	ssettag $0x2  }
0xdb: {  	s0 =	rddreg [dreg:$0x0];
	s2 =	stileid.u32  }
0xdc: {  	s1 =	rddreg [dreg:$0x1];
	p0 =	sne.s32 s2, $0x0  }
0xdd: {  	s3 =	rddreg [dreg:$0x2];
	[bflag:$0x3] =	sbarrier.arrive $0xFFFF;
	s2 =	simm.s32 @!p0 $0x1C02  }
0xde: {  	[timem:s3], [sflag:s2] =	dma.local @!p0 [hbm:s0], s1  }
0xdf: {  	s0 =	simm.s32 @!p0 $0x2  }
0xe0: {  	_ =	swait.ge @!p0 [sflag:s0], s1  }
0xe1: {  	s1 =	ssub.s32 @!p0 $0x0, s1;
	[sflag:s0] =	ssyncset.done @!p0 $0x0  }
0xe2: {  	[sflag:s0] =	ssyncadd.s32 @!p0 s1  }
0xe3: {  	[bflag:$0x3] =	sbarrier.arrive $0xFFFF  }
0xe4: {  	_ =	shalt  }

// kernel: sparse-core-data-format-call.1.cloned.1.call-start
scs
called_computation.1_lowered:
.L_overlay_start_0:
0x0: {  	s1 =	sld [smem:$0x3FD9]  }
0x1: {  	s2 =	sld [smem:$0x3FFE];
	_ =	sdelay $0x1  }
0x2: {  	s3 =	srdreg.scid  }
0x3: {  	s0 =	sand.u32 $0x1, s3  }
0x4: {  	s17 =	sshll.u32 s0, $0xA;
	s1 =	sadd.s32 s2, s1  }
0x5: {  	s1 =	sadd.s32 s1, s17  }
0x6: {  	[smem:$0x3FC4] =	sst s1  }
0x7: {  	_ = 	snop  }
0x8: {  	(tm) =	ssettm $0x1  }
0x9: {  	s18 =	sld [smem:$0x3FFB];
	_ =	sdelay $0x3  }
0xa: {  	_ =	strace s18  }
0xb: {  	s1 =	sld [smem:$0x3FFC];
	_ =	sdelay $0x3  }
0xc: {  	_ =	strace s1  }
0xd: {  	s1 =	sld [smem:$0x3FFD];
	_ =	sdelay $0x3  }
0xe: {  	_ =	strace s1  }
0xf: {  	_ =	strace $0x8FFFFFFF  }
0x10: {  	s19 =	sld [smem:$0x3FDB];
	_ =	sdelay $0x1  }
0x11: {  	s20 =	simm.s32 $_scs_section_size  }
0x12: {  	s4 =	simm.s32 $_size__tile_overlayer_lowered;
	s5 =	simm.s32 $_tile_overlayer_lowered  }
0x13: {  	s23 =	simm.s32 $0x1BFF;
	s22 =	sshll.u32 s5, $0x1;
	s1 =	sadd.s32 s20, s19  }
0x14: {  	s6 =	simm.s32 $0x0;
	s21 =	sshll.u32 s4, $0x1;
	s4 =	sadd.s32 s22, s1  }
0x15: {  	[timem:s6], [sflag:s23] =	dma.local [hbm:s4], s21  }
0x16: {  	_ =	swait.ge [sflag:s23], s21  }
0x17: {  	s2 =	ssub.s32 $0x0, s21;
	[sflag:s23] =	ssyncset.done $0x0  }
0x18: {  	[sflag:s23] =	ssyncadd.s32 s2;
	_ =	sdelay $0x1  }
0x19: {  	s24 =	simm.s32 $0x1B8B  }
0x1a: {  	_ =	swait.ge [sflag:s24], $0x1  }
0x1b: {  	[sflag:s24] =	ssyncset.done $0x0  }
0x1c: {  	s26 =	simm.s32 $0x1B8E;
	s25 =	sld [smem:$0x3FFE];
	[sflag:s24] =	ssyncadd.s32 $0xFFFFFFFF  }
0x1d: {  	s27 =	simm.s32 $execute0_lowered;
	[smem:$0x3FD2] =	sst s26  }
0x1e: {  	s4 =	sshll.u32 s27, $0x1;
	_ =	strace $0x80000046;
	[dreg:$0x1] =	wrdreg $0xFFFFFFFF  }
0x1f: {  	s28 =	simm.s32 $_size_execute0_lowered;
	s1 =	sadd.s32 s1, s4;
	[dreg:$0x0] =	wrdreg $0x0  }
0x20: {  	s4 =	sshll.u32 s28, $0x1;
	[dreg:$0x2] =	wrdreg s1  }
0x21: {  	[dreg:$0x3] =	wrdreg s4  }
0x22: {  	[dreg:$0x4] =	wrdreg $0xC0  }
0x23: {  	_ =	task [dreg:s6], $0x5FFFF  }
0x24: {  	[dreg:$0x1] =	wrdreg $0xFFFFFFFF  }
0x25: {  	[dreg:$0x0] =	wrdreg $0x60  }
0x26: {  	[dreg:$0x2] =	wrdreg s25  }
0x27: {  	[dreg:$0x3] =	wrdreg $0x9  }
0x28: {  	_ =	task.clear_ibuf [dreg:s6], $0x4FFFF;
	_ =	strace $0x90000046  }
0x29: {  	s29 =	simm.s32 $0x9;
	_ =	strace $0x80000048  }
0x2a: {  	_ =	swait.ge [sflag:s29], $0x1  }
0x2b: {  	[sflag:s29] =	ssyncadd.s32 $0xFFFFFFFF  }
0x2c: {  	_ =	strace $0x90000048  }
0x2d: {  	_ =	sfence  }
0x2e: {  	s30 =	sld [smem:$0x0];
	_ =	sdelay $0x2  }
0x2f: {  	s31 =	sshll.u32 s3, $0xD;
	s3 =	sshrl.u32 s3, $0x2  }
0x30: {  	s2 =	sand.u32 $0x4000, s31;
	s1 =	sadd.s32 s3, s30  }
0x31: {  	s0 =	sor.u32 s2, s0;
	s1 =	sshll.u32 s1, $0x11  }
0x32: {  	s0 =	sor.u32 s1, s0  }
0x33: {  	s0 =	sadd.s32 $0x8F2B, s0  }
0x34: {  	[sflag:s0] =	ssyncadd.remote.s32 $0x1  }
0x35: {  	_ =	sfence.sel $0xFFFF  }
0x36: {  	[dreg:$0x0] =	wrdreg $0xFFFFFFFF;
	(pc) =	sbr.abs _section_cstart, $3  }
0x37: {  	[dreg:$0x1] =	wrdreg $0xFFFFFFFF  }
0x38: {  	_ =	task.clear_ibuf [dreg:s6], $0x2FFFF;
	_ =	strace $0x9FFFFFFF  }
0x39: {  	(tm) =	ssettm $0x7FFFFFFF  }
tec
execute0_lowered:
.L_overlay_start_1:
0x0: {  	(tag) =	ssettag $0x1  }
0x1: {  	s3 =	rddreg [dreg:$0x0]  }
0x2: {  	s0 =	rddreg [dreg:$0x1]  }
0x3: {  	_ =	strace $0x80000047;
	s1 =	stileid.u32;
	s5 =	srdreg.scid  }
0x4: {  	s6 =	simm.s32 $0x1;
	s8 =	simm.s32 $0x2;
	s15 =	simm.s32 $0x0  }
0x5: {  	s10 =	simm.s32 $0xC3800;
	s16 =	simm.s32 $0x0;
	s11 =	simm.s32 $0x0  }
.Ltmp0:
0x6: {  	s13 =	simm.s32 $0x0;
	s14 =	simm.s32 $0x0;
	(pc) =	sbr.rel .LBB1_1-.Ltmp0, $4  }
0x7: {  	s2 =	sadd.s32 $0xE00, s3;
	s3 =	sadd.s32 $0x30E200, s3;
	s4 =	sshll.u32 s1, $0x7  }
0x8: {  	s5 =	sshll.u32 s5, $0x7;
	[sflag:s6] =	ssyncpa.u1 $0x0;
	s7 =	ssub.s32 $0x18680, s4  }
0x9: {  	s5 =	sand.u32 $0x80, s5;
	[sflag:s8] =	ssyncpa.u1 $0x0;
	s7 =	sshrl.u32 s7, $0xB  }
0xa: {  	s12 =	smov.u32 s4;
	s8 =	sshll.u32 s5, $0x3;
	s9 =	sadd.s32 $0x2, s7  }
.LBB1_7:
0xb: {  	s19 =	sshrl.u32 s11, $0x3  }
0xc: {  	s20 =	sshll.u32 s13, $0x3;
	s19 =	smul.u32 $0xC3800, s19  }
0xd: {  	s20 =	sand.u32 $0xFFFFFC00, s20  }
0xe: {  	s19 =	sadd.s32 s20, s19  }
0xf: {  	s20 =	smulhi.u32 $0xA79C7B17, s19  }
0x10: {  	p0 =	sgt.s32 s13, $0x18680;
	s21 =	smov.u32 s13  }
0x11: {  	s22 =	sand.u32 $0x7F, s13;
	s21 =	simm.s32 @!p0 $0x18680;
	s23 =	sshrl.u32 s20, $0x13  }
0x12: {  	s17 =	sadd.s32 s17, s21;
	s19 =	sor.u32 s22, s19;
	s28 =	smul.u32 $0x147B, s23  }
0x13: {  	p0 =	sgt.s32 s11, $0x48;
	s30 =	sadd.s32 $0xFFFE7980, s17;
	s29 =	smulhi.u32 $0xA79C7B17, s19  }
0x14: {  	s17 =	ssub.s32 $0x18700, s17;
	p1 =	sgt.s32 s30, $0x7F;
	s22 =	sshrl.u32 s28, $0x11  }
0x15: {  	s23 =	smov.u32 s11;
	s21 =	sshrl.u32 s29, $0x10;
	s22 =	smul.u32 $0xC8, s22  }
0x16: {  	s20 =	sshrl.u32 s20, $0x10;
	s23 =	simm.s32 @!p0 $0x48;
	s21 =	smul.u32 $0x18700, s21  }
0x17: {  	s17 =	simm.s32 @p1 $0x0;
	s31 =	ssub.s32 $0xC8, s23;
	s20 =	ssub.s32 s20, s22  }
0x18: {  	s19 =	ssub.s32 s19, s21;
	s17 =	smul.u32 s31, s17;
	s20 =	sand.u32 $0xFFFF, s20  }
0x19: {  	s21 =	sshrl.u32 s19, $0x3;
	s19 =	sand.u32 $0x7, s19;
	s20 =	smul.u32 $0x30E0, s20  }
0x1a: {  	s18 =	sor.u32 $0x8000, s18;
	s21 =	sadd.s32 s3, s21;
	s19 =	sshll.u32 s19, $0x12  }
0x1b: {  	s17 =	sand.u32 $0x3FFFFFF8, s17;
	s19 =	sor.u32 $0x400, s19;
	s20 =	sadd.s32 s20, s21  }
0x1c: {  	[hbm4b:s20+s19] =	stream.strided.scatter [tilespmem:s18], [sflag:$0x2], s17, s10, s19, $0x20;
	[tilespmem:$0x10100] =	vst v63  }
.LBB1_8:
0x1d: {  	p0 =	slt.u32 s14, $0x2  }
0x1e: {  	p1 =	sgt.s32 @!p0 s16, $0x18680  }
0x1f: {  	s17 =	smov.u32 s16;
	s18 =	sshra.s32 @!p0 s16, $0x1F;
	p1 =	por !p1, p0  }
0x20: {  	s16 =	sand.u32 @!p0 s18, s16;
	s17 =	simm.s32 @p1 $0x18680  }
0x21: {  	s16 =	ssub.s32 @!p0 s17, s16  }
0x22: {  	p1 =	sgt.s32 @!p0 s15, $0x48;
	s17 =	sadd.s32 @!p0 $0xFFFE7980, s16  }
0x23: {  	s18 =	sadd.s32 $0x800, s12;
	p1 =	por !p1, p0;
	p2 =	sgt.s32 @!p0 s17, $0x7F  }
0x24: {  	s15 =	simm.s32 @p1 $0x48;
	s16 =	ssub.s32 @!p0 $0x18700, s16;
	p1 =	por !p2, p0  }
0x25: {  	s15 =	ssub.s32 @!p0 $0xC8, s15;
	s16 =	simm.s32 @!p1 $0x0;
	p1 =	sgt.s32 s18, $0x1869F  }
0x26: {  	s15 =	smul.u32 @!p0 s15, s16;
	s18 =	smov.u32 @p1 s4;
	p1 =	sne.s32 s14, s9  }
.Ltmp1:
0x27: {  	s20 =	sadd.s32 $0x1, s14;
	(pc) =	sbr.rel @!p1 .LBB1_9-.Ltmp1, $4  }
0x28: {  	s17 =	simm.s32 @!p0 $0x2;
	s16 =	smov.u32 s13;
	s15 =	sand.u32 @!p0 $0x3FFFFFFF, s15  }
0x29: {  	s13 =	smov.u32 s12;
	s14 =	smov.u32 s20;
	_ =	swait.ge @!p0 [sflag:s17], s15  }
0x2a: {  	s12 =	smov.u32 s18;
	s19 =	ssub.s32 @!p0 $0x0, s15;
	[sflag:s17] =	ssyncset.done @!p0 $0x0  }
0x2b: {  	s15 =	smov.u32 s11;
	s11 =	smov.u32 s5;
	[sflag:s17] =	ssyncadd.s32 @!p0 s19  }
.LBB1_1:
0x2c: {  	p0 =	sgt.u32 s14, s7  }
0x2d: {  	s17 =	sshll.u32 @!p0 s12, $0x8  }
0x2e: {  	s18 =	sshll.u32 @!p0 s12, $0x7;
	s17 =	sand.u32 @!p0 $0xFFFFF800, s17  }
0x2f: {  	s18 =	sand.u32 @!p0 $0x300, s18;
	s17 =	sor.u32 @!p0 s8, s17  }
0x30: {  	s17 =	sor.u32 @!p0 s18, s17  }
0x31: {  	s19 =	smov.u32 s12;
	p1 =	sgt.s32 @!p0 s12, $0x18620;
	s17 =	sshrl.u32 @!p0 s17, $0x8  }
0x32: {  	s20 =	sshra.s32 @!p0 s12, $0x1F;
	p1 =	por !p1, p0;
	s18 =	smulhi.u32 @!p0 $0x14F8B59, s17  }
0x33: {  	s20 =	sand.u32 @!p0 s20, s12;
	s19 =	simm.s32 @p1 $0x18620  }
0x34: {  	s21 =	sxor.u32 @!p0 $0xFFFFFFFF, s14;
	s19 =	ssub.s32 @!p0 s19, s20;
	s18 =	sshrl.u32 @!p0 s18, $0x9  }
0x35: {  	s20 =	sshll.u32 @!p0 s21, $0xE;
	s19 =	sadd.s32 @!p0 $0xFFFE79E0, s19;
	s18 =	smul.u32 @!p0 $0x186A0, s18  }
0x36: {  	s21 =	simm.s32 @!p0 $0x800;
	s20 =	sand.u32 @!p0 $0x4000, s20;
	p1 =	sgt.s32 @!p0 s19, $0x7F  }
0x37: {  	s17 =	ssub.s32 @!p0 s17, s18;
	s18 =	sshll.u32 @!p0 s19, $0x7;
	s19 =	sshll.u32 @!p0 s12, $0x4  }
0x38: {  	p1 =	por !p1, p0;
	s18 =	ssub.s32 @!p0 $0x4000, s18;
	s19 =	sand.u32 @!p0 $0x10, s19  }
0x39: {  	s17 =	sshll.u32 @!p0 s17, $0x5;
	s18 =	sand.u32 @!p0 $0x3FFFFF80, s18;
	s19 =	sadd.s32 @!p0 s2, s19  }
0x3a: {  	s18 =	simm.s32 @!p1 $0x0;
	s17 =	sadd.s32 @!p0 s17, s19;
	s19 =	simm.s32 @!p0 $0x400  }
0x3b: {  	[tilespmem:s20], [sflag:$0x1] =	stream.strided.gather @!p0 [hbm4b:s17+s19], s18, s21, s19, $0x38;
	[tilespmem:$0x10100] =	vst v63  }
0x3c: {  	p0 =	seq.s32 s14, $0x0  }
0x3d: {  	p1 =	sge.u32 @!p0 s14, s9  }
0x3e: {  	p0 =	por p0, p1  }
.Ltmp2:
0x3f: {  	_ = 	snop;
	(pc) =	sbr.rel @p0 .LBB1_8-.Ltmp2, $1  }
0x40: {  	_ =	sdelay $0x3  }
0x41: {  	s17 =	ssub.s32 $0x0, s13  }
0x42: {  	s18 =	sshra.s32 s13, $0x1F;
	p0 =	sgt.s32 s13, $0x18620;
	s19 =	smov.u32 s13  }
0x43: {  	s17 =	sand.u32 s17, s18;
	s19 =	simm.s32 @!p0 $0x18620  }
0x44: {  	p1 =	slt.s32 s11, $0x48;
	s20 =	smov.u32 s11;
	s18 =	sadd.s32 s17, s19  }
0x45: {  	s20 =	simm.s32 @!p1 $0x48;
	s19 =	sadd.s32 $0x80, s13;
	s18 =	sadd.s32 $0xFFFE79E0, s18  }
0x46: {  	p1 =	slt.s32 s19, $0x186A0;
	p0 =	sgt.s32 s18, $0x7F;
	s18 =	sshll.u32 s18, $0x7  }
0x47: {  	s20 =	ssub.s32 s20, s11;
	s19 =	simm.s32 @!p1 $0x186A0;
	s18 =	ssub.s32 $0x4000, s18  }
0x48: {  	s20 =	sadd.s32 $0x88, s20;
	s19 =	ssub.s32 s19, s13;
	s18 =	sand.u32 $0x3FFFFF80, s18  }
0x49: {  	s20 =	sand.u32 $0xFFFFFFD0, s20;
	s18 =	simm.s32 @p0 $0x0;
	p0 =	slt.s32 s19, $0x1  }
0x4a: {  	p1 =	slt.s32 @!p0 s20, $0x1  }
0x4b: {  	p1 =	por p0, p1  }
.Ltmp3:
0x4c: {  	_ = 	snop;
	(pc) =	sbr.rel @p1 .LBB1_7-.Ltmp3, $4  }
0x4d: {  	_ = 	snop  }
0x4e: {  	_ =	swait.ge [sflag:s6], s18  }
0x4f: {  	s21 =	sand.u32 $0x1, s14;
	s18 =	ssub.s32 $0x0, s18;
	[sflag:s6] =	ssyncset.done $0x0  }
0x50: {  	[sflag:s6] =	ssyncadd.s32 s18;
	s18 =	smul.u32 $0x4080, s21  }
0x51: {  	_ = 	snop  }
0x52: {  	s21 =	sshll.u32 @!p0 s21, $0xE;
	s23 =	simm.s32 $0x0;
	s22 =	sor.u32 @!p0 $0x8000, s18  }
.LBB1_4:
0x53: {  	s24 =	sshll.u32 s23, $0x7;
	s25 =	sshrl.u32 s23, $0x4  }
0x54: {  	s27 =	sand.u32 $0x7F, s23;
	s28 =	simm.s32 $0x0;
	s26 =	sand.u32 $0x380, s24  }
0x55: {  	s29 =	simm.s32 $0x0;
	s27 =	sadd.s32 s27, s22;
	s26 =	sadd.s32 s26, s21  }
.LBB1_5:
0x56: {  	s30 =	sand.u32 $0x3C00, s28  }
0x57: {  	s30 =	sadd.s32 s24, s30  }
0x58: {  	s30 =	sand.u32 $0x3C00, s30  }
0x59: {  	s31 =	sand.u32 $0x70, s29;
	s30 =	sadd.s32 s30, s26  }
0x5a: {  	s30 =	sadd.s32 s31, s30;
	s31 =	sadd.s32 s29, s25  }
0x5b: {  	s29 =	sadd.s32 $0x10, s29;
	s31 =	sand.u32 $0x78, s31  }
0x5c: {  	v0 =	vld [tilespmem:s30+$0x0];
	p0 =	slt.u32 s29, s20;
	s30 =	smul.u32 $0x204, s31  }
.Ltmp4:
0x5d: {  	_ = 	snop;
	(pc) =	sbr.rel @p0 .LBB1_5-.Ltmp4, $4  }
0x5e: {  	_ = 	snop  }
0x5f: {  	s30 =	sshrl.u32 s30, $0x2  }
0x60: {  	s30 =	sadd.s32 s30, s27  }
0x61: {  	s28 =	sadd.s32 $0x80, s28;
	[tilespmem:s30+$0x0 ss:$0x81] =	vst.msk $0xffff, v0  }
0x62: {  	s23 =	sadd.s32 $0x1, s23  }
0x63: {  	p0 =	sne.s32 s23, s19  }
.Ltmp5:
0x64: {  	_ = 	snop;
	(pc) =	sbr.rel @p0 .LBB1_4-.Ltmp5, $4  }
.Ltmp6:
0x65: {  	_ = 	snop;
	(pc) =	sbr.rel @!p0 .LBB1_7-.Ltmp6, $4  }
0x66: {  	_ = 	snop  }
0x67: {  	_ = 	snop  }
0x68: {  	_ = 	snop  }
0x69: {  	_ = 	snop  }
.LBB1_9:
0x6a: {  	_ =	sfence.sel $0x180000  }
0x6b: {  	s2 =	simm.s32 $0x1;
	[bflag:$0x0] =	sbarrier.arrive $0xFFFF  }
0x6c: {  	s31 =	simm.s32 $0x2;
	[sflag:s2] =	ssyncpa.u1 $0x1  }
0x6d: {  	[sflag:s31] =	ssyncpa.u1 $0x1  }
0x6e: {  	p0 =	sne.s32 s1, $0x0;
	_ =	strace $0x90000047  }
0x6f: {  	s0 =	sadd.s32 @!p0 $0x100000, s0;
	[bflag:$0x2] =	sbarrier.arrive $0xFFFF  }
0x70: {  	[sflag:s0] =	ssyncadd.tile.s32 @!p0 $0x1;
	_ =	shalt  }
.Lfunc_end1:
_tile_overlayer_lowered:
.L_overlay_start_2:
0x71: {  	(tag) =	ssettag $0x2  }
0x72: {  	s0 =	rddreg [dreg:$0x0];
	s2 =	stileid.u32  }
0x73: {  	s1 =	rddreg [dreg:$0x1];
	p0 =	sne.s32 s2, $0x0  }
0x74: {  	s3 =	rddreg [dreg:$0x2];
	[bflag:$0x3] =	sbarrier.arrive $0xFFFF;
	s2 =	simm.s32 @!p0 $0x1C01  }
0x75: {  	[timem:s3], [sflag:s2] =	dma.local @!p0 [hbm:s0], s1  }
0x76: {  	s0 =	simm.s32 @!p0 $0x1  }
0x77: {  	_ =	swait.ge @!p0 [sflag:s0], s1  }
0x78: {  	s1 =	ssub.s32 @!p0 $0x0, s1;
	[sflag:s0] =	ssyncset.done @!p0 $0x0  }
0x79: {  	[sflag:s0] =	ssyncadd.s32 @!p0 s1  }
0x7a: {  	[bflag:$0x3] =	sbarrier.arrive $0xFFFF  }
0x7b: {  	_ =	shalt  }

// kernel: sparse-core-data-format-call.cloned.1.call-start
scs
called_computation_lowered:
.L_overlay_start_0:
0x0: {  	s1 =	sld [smem:$0x3FD9]  }
0x1: {  	s2 =	sld [smem:$0x3FFE];
	_ =	sdelay $0x1  }
0x2: {  	s3 =	srdreg.scid  }
0x3: {  	s0 =	sand.u32 $0x1, s3  }
0x4: {  	s17 =	sshll.u32 s0, $0xA;
	s1 =	sadd.s32 s2, s1  }
0x5: {  	s1 =	sadd.s32 s1, s17  }
0x6: {  	[smem:$0x3FC4] =	sst s1  }
0x7: {  	_ = 	snop  }
0x8: {  	(tm) =	ssettm $0x1  }
0x9: {  	s18 =	sld [smem:$0x3FFB];
	_ =	sdelay $0x3  }
0xa: {  	_ =	strace s18  }
0xb: {  	s1 =	sld [smem:$0x3FFC];
	_ =	sdelay $0x3  }
0xc: {  	_ =	strace s1  }
0xd: {  	s1 =	sld [smem:$0x3FFD];
	_ =	sdelay $0x3  }
0xe: {  	_ =	strace s1  }
0xf: {  	_ =	strace $0x8FFFFFFF  }
0x10: {  	s19 =	sld [smem:$0x3FDB];
	_ =	sdelay $0x1  }
0x11: {  	s20 =	simm.s32 $_scs_section_size  }
0x12: {  	s4 =	simm.s32 $_size__tile_overlayer_lowered;
	s5 =	simm.s32 $_tile_overlayer_lowered  }
0x13: {  	s23 =	simm.s32 $0x1BFF;
	s22 =	sshll.u32 s5, $0x1;
	s1 =	sadd.s32 s20, s19  }
0x14: {  	s6 =	simm.s32 $0x0;
	s21 =	sshll.u32 s4, $0x1;
	s4 =	sadd.s32 s22, s1  }
0x15: {  	[timem:s6], [sflag:s23] =	dma.local [hbm:s4], s21  }
0x16: {  	_ =	swait.ge [sflag:s23], s21  }
0x17: {  	s2 =	ssub.s32 $0x0, s21;
	[sflag:s23] =	ssyncset.done $0x0  }
0x18: {  	[sflag:s23] =	ssyncadd.s32 s2;
	_ =	sdelay $0x1  }
0x19: {  	s24 =	simm.s32 $0x1B8B  }
0x1a: {  	_ =	swait.ge [sflag:s24], $0x1  }
0x1b: {  	[sflag:s24] =	ssyncset.done $0x0  }
0x1c: {  	s26 =	simm.s32 $0x1B8E;
	s25 =	sld [smem:$0x3FFE];
	[sflag:s24] =	ssyncadd.s32 $0xFFFFFFFF  }
0x1d: {  	s27 =	simm.s32 $execute0_lowered;
	[smem:$0x3FD2] =	sst s26  }
0x1e: {  	s4 =	sshll.u32 s27, $0x1;
	_ =	strace $0x80000049;
	[dreg:$0x1] =	wrdreg $0xFFFFFFFF  }
0x1f: {  	s28 =	simm.s32 $_size_execute0_lowered;
	s1 =	sadd.s32 s1, s4;
	[dreg:$0x0] =	wrdreg $0x0  }
0x20: {  	s4 =	sshll.u32 s28, $0x1;
	[dreg:$0x2] =	wrdreg s1  }
0x21: {  	[dreg:$0x3] =	wrdreg s4  }
0x22: {  	[dreg:$0x4] =	wrdreg $0xC0  }
0x23: {  	_ =	task [dreg:s6], $0x5FFFF  }
0x24: {  	[dreg:$0x1] =	wrdreg $0xFFFFFFFF  }
0x25: {  	[dreg:$0x0] =	wrdreg $0x60  }
0x26: {  	[dreg:$0x2] =	wrdreg s25  }
0x27: {  	[dreg:$0x3] =	wrdreg $0x9  }
0x28: {  	_ =	task.clear_ibuf [dreg:s6], $0x4FFFF;
	_ =	strace $0x90000049  }
0x29: {  	s29 =	simm.s32 $0x9;
	_ =	strace $0x8000004B  }
0x2a: {  	_ =	swait.ge [sflag:s29], $0x1  }
0x2b: {  	[sflag:s29] =	ssyncadd.s32 $0xFFFFFFFF  }
0x2c: {  	_ =	strace $0x9000004B  }
0x2d: {  	_ =	sfence  }
0x2e: {  	s30 =	sld [smem:$0x0];
	_ =	sdelay $0x2  }
0x2f: {  	s31 =	sshll.u32 s3, $0xD;
	s3 =	sshrl.u32 s3, $0x2  }
0x30: {  	s2 =	sand.u32 $0x4000, s31;
	s1 =	sadd.s32 s3, s30  }
0x31: {  	s0 =	sor.u32 s2, s0;
	s1 =	sshll.u32 s1, $0x11  }
0x32: {  	s0 =	sor.u32 s1, s0  }
0x33: {  	s0 =	sadd.s32 $0x8F2B, s0  }
0x34: {  	[sflag:s0] =	ssyncadd.remote.s32 $0x1  }
0x35: {  	_ =	sfence.sel $0xFFFF  }
0x36: {  	[dreg:$0x0] =	wrdreg $0xFFFFFFFF;
	(pc) =	sbr.abs _section_cstart, $3  }
0x37: {  	[dreg:$0x1] =	wrdreg $0xFFFFFFFF  }
0x38: {  	_ =	task.clear_ibuf [dreg:s6], $0x2FFFF;
	_ =	strace $0x9FFFFFFF  }
0x39: {  	(tm) =	ssettm $0x7FFFFFFF  }
tec
execute0_lowered:
.L_overlay_start_1:
0x0: {  	(tag) =	ssettag $0x1  }
0x1: {  	s0 =	srdreg.scid;
	s1 =	rddreg [dreg:$0x0]  }
0x2: {  	s2 =	stileid.u32;
	_ =	strace $0x8000004A;
	s29 =	simm.s32 $0x1  }
0x3: {  	s31 =	simm.s32 $0x2;
	s14 =	simm.s32 $0x0;
	s0 =	sshll.u32 s0, $0x4  }
0x4: {  	s13 =	simm.s32 $0x0;
	s8 =	simm.s32 $0x0;
	s0 =	sand.u32 $0x10, s0  }
0x5: {  	s28 =	sadd.s32 $0xE00, s1;
	s1 =	sadd.s32 $0x13EA00, s1;
	s0 =	sor.u32 s2, s0  }
.Ltmp0:
0x6: {  	[dreg:$0x3] =	wrdreg s28;
	s9 =	sshll.u32 s0, $0x7;
	(pc) =	sbr.rel .LBB1_1-.Ltmp0, $4  }
0x7: {  	s10 =	simm.s32 $0x0;
	[dreg:$0x5] =	wrdreg s1;
	s30 =	ssub.s32 $0x18680, s9  }
0x8: {  	s11 =	simm.s32 $0x0;
	[dreg:$0x2] =	wrdreg s9;
	s0 =	sshrl.u32 s30, $0xC  }
0x9: {  	[sflag:s29] =	ssyncpa.u1 $0x0;
	[dreg:$0x4] =	wrdreg s0;
	s7 =	sadd.s32 $0x2, s0  }
0xa: {  	s12 =	simm.s32 $0x0;
	[sflag:s31] =	ssyncpa.u1 $0x0;
	[dreg:$0x6] =	wrdreg s7  }
.LBB1_12:
0xb: {  	s8 =	rddreg [dreg:$0x7]  }
0xc: {  	s1 =	sshll.u32 s10, $0x3;
	s3 =	rddreg [dreg:$0xb]  }
0xd: {  	s27 =	rddreg [dreg:$0xa];
	s28 =	sshrl.u32 s10, $0x3;
	s0 =	sshll.u32 s8, $0x7  }
0xe: {  	s30 =	rddreg [dreg:$0x5];
	s1 =	sand.u32 $0xFFFFFC00, s1;
	s2 =	sand.u32 $0xFFFFFC00, s0  }
0xf: {  	s31 =	sand.u32 $0x7, s10;
	s0 =	sand.u32 $0x380, s0;
	s1 =	sadd.s32 s1, s2  }
0x10: {  	p0 =	sgt.s32 s8, $0x18620;
	s0 =	sor.u32 s0, s1;
	s1 =	smov.u32 s8  }
0x11: {  	s0 =	sshrl.u32 s0, $0x7;
	s1 =	simm.s32 @!p0 $0x18620;
	p0 =	sgt.s32 s10, $0x0  }
0x12: {  	s26 =	smulhi.u32 $0x14F8B59, s0;
	s1 =	sadd.s32 s3, s1;
	s3 =	smov.u32 s10  }
0x13: {  	s4 =	sadd.s32 $0xFFFE79E0, s1;
	s3 =	simm.s32 @!p0 $0x0;
	s1 =	ssub.s32 $0x186A0, s1  }
0x14: {  	s2 =	sshrl.u32 s26, $0x9;
	p0 =	sgt.s32 s4, $0x7F;
	s3 =	sadd.s32 s3, s27  }
0x15: {  	s2 =	smul.u32 $0x186A0, s2;
	p1 =	sgt.s32 s3, $0x7F;
	s3 =	ssub.s32 $0x80, s3  }
0x16: {  	s7 =	rddreg [dreg:$0x6];
	s1 =	simm.s32 @p0 $0x0;
	s3 =	simm.s32 @p1 $0x0  }
0x17: {  	s29 =	sand.u32 $0xF, s28;
	s0 =	ssub.s32 s0, s2;
	s1 =	smul.u32 s3, s1  }
0x18: {  	s13 =	rddreg [dreg:$0x8];
	s2 =	sadd.s32 s30, s29;
	s0 =	sshll.u32 s0, $0x4  }
0x19: {  	s14 =	rddreg [dreg:$0x9];
	s1 =	sand.u32 $0x3FFFFFFF, s1;
	s0 =	sadd.s32 s0, s2  }
0x1a: {  	[hbm4b:s0+s31] =	stream.linear.scatter [tilespmem:s17], [sflag:$0x2], s1, $0x20;
	[tilespmem:$0x10100] =	vst v63  }
.LBB1_13:
0x1b: {  	p0 =	slt.u32 s12, $0x2  }
0x1c: {  	p1 =	sgt.s32 @!p0 s14, $0x18620  }
0x1d: {  	s0 =	smov.u32 s14;
	s1 =	sshra.s32 @!p0 s14, $0x1F;
	p1 =	por !p1, p0  }
0x1e: {  	s1 =	sand.u32 @!p0 s1, s14;
	s0 =	simm.s32 @p1 $0x18620  }
0x1f: {  	s0 =	ssub.s32 @!p0 s0, s1;
	s1 =	ssub.s32 @!p0 $0x0, s13  }
0x20: {  	s2 =	sadd.s32 @!p0 $0xFFFE79E0, s0;
	s1 =	smin.u32 @!p0 s13, s1  }
0x21: {  	s0 =	ssub.s32 @!p0 $0x186A0, s0;
	p1 =	sgt.s32 @!p0 s2, $0x7F;
	p2 =	sgt.s32 @!p0 s1, $0x7F  }
0x22: {  	s1 =	ssub.s32 @!p0 $0x80, s1;
	p1 =	por !p1, p0;
	p2 =	por !p2, p0  }
0x23: {  	s0 =	simm.s32 @!p1 $0x0;
	s1 =	simm.s32 @!p2 $0x0  }
0x24: {  	s0 =	smul.u32 @!p0 s1, s0  }
0x25: {  	s3 =	sadd.s32 $0x80, s11  }
0x26: {  	s2 =	simm.s32 @!p0 $0x2;
	s1 =	sadd.s32 $0x1000, s9;
	s0 =	sand.u32 @!p0 $0x3FFFFFFF, s0  }
0x27: {  	s4 =	smov.u32 s11;
	p1 =	sgt.s32 s1, $0x1869F;
	_ =	swait.ge @!p0 [sflag:s2], s0  }
0x28: {  	s4 =	smov.u32 @p1 s3;
	s3 =	rddreg [dreg:$0x2]  }
0x29: {  	s1 =	smov.u32 @p1 s3;
	p1 =	sgt.s32 s4, $0x63  }
0x2a: {  	s4 =	simm.s32 @p1 $0x0;
	p1 =	sne.s32 s12, s7  }
.Ltmp1:
0x2b: {  	_ = 	snop;
	(pc) =	sbr.rel @!p1 .LBB1_14-.Ltmp1, $4  }
0x2c: {  	s14 =	smov.u32 s8  }
0x2d: {  	s8 =	smov.u32 s9;
	s0 =	ssub.s32 @!p0 $0x0, s0;
	[sflag:s2] =	ssyncset.done @!p0 $0x0  }
0x2e: {  	s13 =	smov.u32 s10;
	s10 =	smov.u32 s11;
	[sflag:s2] =	ssyncadd.s32 @!p0 s0  }
0x2f: {  	s12 =	sadd.s32 $0x1, s12;
	s9 =	smov.u32 s1;
	s11 =	smov.u32 s4  }
.LBB1_1:
0x30: {  	s0 =	rddreg [dreg:$0x4]  }
0x31: {  	p0 =	sgt.u32 s12, s0  }
0x32: {  	s0 =	sshrl.u32 @!p0 s11, $0x3  }
0x33: {  	s1 =	sshll.u32 @!p0 s9, $0x3;
	s0 =	smul.u32 @!p0 $0xC3800, s0  }
0x34: {  	s5 =	smov.u32 s9;
	s2 =	sshll.u32 @!p0 s11, $0x7;
	s1 =	sand.u32 @!p0 $0xFFFFFC00, s1  }
0x35: {  	s3 =	sand.u32 @!p0 $0x7F, s9;
	s0 =	sadd.s32 @!p0 s0, s1;
	s1 =	sand.u32 @!p0 $0x380, s2  }
0x36: {  	p1 =	sgt.s32 @!p0 s11, $0xFFFFFFE8;
	s4 =	sshra.s32 @!p0 s11, $0x1F;
	s0 =	sor.u32 @!p0 s1, s0  }
0x37: {  	s6 =	sshra.s32 @!p0 s9, $0x1F;
	p1 =	por !p1, p0;
	s1 =	smulhi.u32 @!p0 $0xA79C7B17, s0  }
0x38: {  	s4 =	sand.u32 @!p0 s4, s11;
	s0 =	sor.u32 @!p0 s3, s0;
	s3 =	smov.u32 s11  }
0x39: {  	s3 =	simm.s32 @p1 $0xFFFFFFE8;
	p1 =	sgt.s32 @!p0 s9, $0x18680;
	s1 =	sshrl.u32 @!p0 s1, $0x10  }
0x3a: {  	p1 =	por !p1, p0;
	s3 =	ssub.s32 @!p0 s3, s4;
	s2 =	smul.u32 @!p0 $0x4EC5, s1  }
0x3b: {  	s4 =	sand.u32 @!p0 s6, s9;
	s6 =	smulhi.u32 @!p0 $0xA79C7B17, s0;
	s5 =	simm.s32 @p1 $0x18680  }
0x3c: {  	s4 =	ssub.s32 @!p0 s5, s4;
	s5 =	sadd.s32 @!p0 $0x18, s3;
	s2 =	sshrl.u32 @!p0 s2, $0x15  }
0x3d: {  	p1 =	sgt.s32 @!p0 s5, $0x7F;
	s5 =	sshrl.u32 @!p0 s6, $0x10;
	s2 =	smul.u32 @!p0 $0x68, s2  }
0x3e: {  	s3 =	ssub.s32 @!p0 $0x68, s3;
	s5 =	smul.u32 @!p0 $0x18700, s5  }
0x3f: {  	p1 =	por !p1, p0;
	s1 =	ssub.s32 @!p0 s1, s2;
	s2 =	sadd.s32 @!p0 $0xFFFE7980, s4  }
0x40: {  	s3 =	simm.s32 @!p1 $0x0;
	s4 =	ssub.s32 @!p0 $0x18700, s4;
	p2 =	sgt.s32 @!p0 s2, $0x7F  }
0x41: {  	s0 =	ssub.s32 @!p0 s0, s5;
	s1 =	sand.u32 @!p0 $0xFFFF, s1;
	p2 =	por !p2, p0  }
0x42: {  	s2 =	sxor.u32 @!p0 $0xFFFFFFFF, s12;
	s1 =	smul.u32 @!p0 $0x30E0, s1;
	s4 =	simm.s32 @!p2 $0x0  }
0x43: {  	s5 =	rddreg [dreg:$0x3];
	s2 =	sshll.u32 @!p0 s2, $0xE;
	s3 =	smul.u32 @!p0 s3, s4  }
0x44: {  	s2 =	sand.u32 @!p0 $0x4000, s2;
	s4 =	sshrl.u32 @!p0 s0, $0x3;
	s0 =	sand.u32 @!p0 $0x7, s0  }
0x45: {  	s4 =	sadd.s32 @!p0 s5, s4;
	s0 =	sshll.u32 @!p0 s0, $0x12;
	s3 =	sand.u32 @!p0 $0x3FFFFFFF, s3  }
0x46: {  	s1 =	sadd.s32 @!p0 s1, s4;
	s0 =	sor.u32 @!p0 $0x400, s0;
	s4 =	simm.s32 @!p0 $0xC3800  }
0x47: {  	[tilespmem:s2], [sflag:$0x1] =	stream.strided.gather @!p0 [hbm4b:s1+s0], s3, s4, s0, $0x38;
	[tilespmem:$0x10100] =	vst v63  }
0x48: {  	p0 =	seq.s32 s12, $0x0  }
0x49: {  	p1 =	sge.u32 @!p0 s12, s7  }
0x4a: {  	p0 =	por p0, p1  }
.Ltmp2:
0x4b: {  	_ = 	snop;
	(pc) =	sbr.rel @p0 .LBB1_13-.Ltmp2, $1  }
0x4c: {  	_ =	sdelay $0x3  }
0x4d: {  	s0 =	ssub.s32 $0x0, s10;
	s1 =	sshra.s32 s10, $0x1F;
	p0 =	sgt.s32 s10, $0xFFFFFFE8  }
0x4e: {  	s2 =	smov.u32 s10;
	s25 =	ssub.s32 $0x0, s8;
	s26 =	sshra.s32 s8, $0x1F  }
0x4f: {  	s3 =	smov.u32 s8;
	s2 =	simm.s32 @!p0 $0xFFFFFFE8;
	p0 =	sgt.s32 s8, $0x18680  }
0x50: {  	s4 =	sand.u32 s0, s1;
	s1 =	sand.u32 s25, s26;
	s3 =	simm.s32 @!p0 $0x18680  }
0x51: {  	s2 =	sadd.s32 s4, s2;
	[dreg:$0xb] =	wrdreg s1;
	s1 =	sadd.s32 s1, s3  }
0x52: {  	s27 =	sadd.s32 $0x18, s2;
	s2 =	ssub.s32 $0x68, s2;
	s28 =	sadd.s32 $0xFFFE7980, s1  }
0x53: {  	p0 =	sgt.s32 s27, $0x7F;
	s0 =	ssub.s32 $0x18700, s1;
	p1 =	sgt.s32 s28, $0x7F  }
0x54: {  	s2 =	simm.s32 @p0 $0x0;
	s0 =	simm.s32 @p1 $0x0  }
0x55: {  	s29 =	smul.u32 s2, s0;
	s2 =	sadd.s32 $0x80, s10  }
0x56: {  	p0 =	slt.s32 s2, $0x64  }
0x57: {  	s2 =	simm.s32 @!p0 $0x64  }
0x58: {  	[dreg:$0x9] =	wrdreg s14;
	s18 =	ssub.s32 s2, s10  }
0x59: {  	[dreg:$0x8] =	wrdreg s13;
	p0 =	slt.s32 s18, $0x1  }
.Ltmp3:
0x5a: {  	[dreg:$0x7] =	wrdreg s8;
	s30 =	simm.s32 $0x1;
	(pc) =	sbr.rel @p0 .LBB1_12-.Ltmp3, $4  }
0x5b: {  	[dreg:$0xa] =	wrdreg s4;
	s0 =	sand.u32 $0x1, s12;
	s1 =	sand.u32 $0x3FFFFFFF, s29  }
0x5c: {  	s31 =	smul.u32 $0x4080, s0;
	_ =	swait.ge [sflag:s30], s1  }
0x5d: {  	s1 =	ssub.s32 $0x0, s1;
	[sflag:s30] =	ssyncset.done $0x0  }
0x5e: {  	s17 =	sor.u32 $0x8000, s31;
	[sflag:s30] =	ssyncadd.s32 s1  }
0x5f: {  	s2 =	rddreg [dreg:$0x7]  }
0x60: {  	s1 =	sadd.s32 $0x80, s2  }
0x61: {  	p0 =	slt.s32 s1, $0x186A0  }
.Ltmp4:
0x62: {  	s1 =	simm.s32 @!p0 $0x186A0;
	(pc) =	sbr.rel .LBB1_4-.Ltmp4, $4  }
0x63: {  	s21 =	sshll.u32 s0, $0xE;
	s1 =	ssub.s32 s1, s2  }
0x64: {  	s23 =	simm.s32 $0x0;
	s24 =	simm.s32 $0x400;
	s1 =	sadd.s32 $0xF, s1  }
0x65: {  	s19 =	sand.u32 $0xFFFFFFF0, s1;
	s20 =	sand.u32 $0xFFFFFF00, s1;
	s31 =	sshll.u32 s1, $0x3  }
0x66: {  	p0 =	slt.s32 s1, $0x100;
	s22 =	sand.u32 $0xFFFFF800, s31;
	p1 =	sge.s32 s20, s19  }
.LBB1_11:
0x67: {  	s23 =	sadd.s32 $0x1, s23  }
0x68: {  	p2 =	sne.s32 s23, s18  }
.Ltmp5:
0x69: {  	_ = 	snop;
	(pc) =	sbr.rel @!p2 .LBB1_12-.Ltmp5, $2  }
0x6a: {  	_ =	sdelay $0x2  }
0x6b: {  	s24 =	sadd.s32 $0x80, s24  }
.LBB1_4:
.Ltmp6:
0x6c: {  	(pc) =	sbr.rel @p0 .LBB1_8-.Ltmp6, $2  }
0x6d: {  	_ =	sdelay $0x2  }
0x6e: {  	s25 =	sshll.u32 s23, $0x7;
	s26 =	sand.u32 $0x7F, s23  }
0x6f: {  	s0 =	sshll.u32 s23, $0x3  }
0x70: {  	s5 =	sand.u32 $0x380, s25;
	s2 =	sshrl.u32 s0, $0x7;
	s3 =	sadd.s32 $0x800, s0  }
0x71: {  	s6 =	sadd.s32 $0x1000, s0;
	s16 =	sadd.s32 s5, s21;
	s15 =	sadd.s32 $0x1800, s0  }
0x72: {  	s13 =	sadd.s32 $0x2800, s0;
	s1 =	sand.u32 $0x78, s2;
	s3 =	sshrl.u32 s3, $0x7  }
0x73: {  	s14 =	sshrl.u32 s6, $0x7;
	s6 =	sshrl.u32 s15, $0x7;
	s15 =	sadd.s32 $0x3000, s0  }
0x74: {  	s0 =	sadd.s32 $0x3800, s0;
	s4 =	smul.u32 $0x204, s1;
	s3 =	sand.u32 $0x78, s3  }
0x75: {  	v0 =	vmov s16;
	s16 =	sand.u32 $0x3C00, s24;
	s5 =	sand.u32 $0x78, s14;
	s3 =	smul.u32 $0x204, s3  }
0x76: {  	s7 =	sand.u32 $0x78, s6;
	s1 =	sxor.u32 $0x40, s1;
	s5 =	smul.u32 $0x204, s5  }
0x77: {  	s14 =	sshrl.u32 s13, $0x7;
	s1 =	smul.u32 $0x204, s1;
	s4 =	sshrl.u32 s4, $0x2  }
0x78: {  	s13 =	sadd.s32 $0x10, s2;
	s4 =	sadd.s32 s4, s17;
	s3 =	sshrl.u32 s3, $0x2  }
0x79: {  	s8 =	sshrl.u32 s5, $0x2;
	s1 =	sshrl.u32 s1, $0x2;
	s5 =	sshrl.u32 s15, $0x7  }
0x7a: {  	s3 =	sadd.s32 s3, s17;
	s27 =	sadd.s32 s26, s4;
	s4 =	sadd.s32 s8, s17  }
0x7b: {  	s1 =	sadd.s32 s1, s17;
	s28 =	sadd.s32 s26, s3;
	s3 =	smul.u32 $0x204, s7  }
0x7c: {  	s29 =	sadd.s32 s26, s4;
	s4 =	sand.u32 $0x78, s14;
	s30 =	sadd.s32 s26, s1  }
0x7d: {  	s1 =	sand.u32 $0x78, s5;
	s7 =	sshrl.u32 s0, $0x7;
	s14 =	sadd.s32 $0x20, s2  }
0x7e: {  	s4 =	smul.u32 $0x204, s4;
	s8 =	sand.u32 $0x78, s7;
	s5 =	sand.u32 $0x78, s14  }
0x7f: {  	s7 =	sadd.s32 $0x30, s2;
	s3 =	sshrl.u32 s3, $0x2;
	s5 =	smul.u32 $0x204, s5  }
0x80: {  	s3 =	sadd.s32 s3, s17;
	s6 =	sshrl.u32 s4, $0x2;
	s4 =	sand.u32 $0x78, s13  }
0x81: {  	s13 =	sadd.s32 $0x60, s2;
	s31 =	sadd.s32 s26, s3;
	s4 =	smul.u32 $0x204, s4  }
0x82: {  	s3 =	sadd.s32 s6, s17;
	s5 =	sshrl.u32 s5, $0x2;
	s13 =	sand.u32 $0x78, s13  }
0x83: {  	s0 =	sadd.s32 s26, s3;
	s3 =	smul.u32 $0x204, s8;
	s4 =	sshrl.u32 s4, $0x2  }
0x84: {  	s15 =	sadd.s32 s4, s17;
	s4 =	sand.u32 $0x78, s7;
	s7 =	sadd.s32 $0x50, s2  }
0x85: {  	s13 =	smul.u32 $0x204, s13;
	s2 =	sadd.s32 $0x70, s2;
	s7 =	sand.u32 $0x78, s7  }
0x86: {  	v1 =	vld.idx.msk [tilespmem:v0+s16+$0x0 ss:$0x1], $0xffff;
	s3 =	sshrl.u32 s3, $0x2;
	s2 =	sand.u32 $0x78, s2;
	s7 =	smul.u32 $0x204, s7  }
0x87: {  	s13 =	sshrl.u32 s13, $0x2;
	s3 =	sadd.s32 s3, s17;
	s2 =	smul.u32 $0x204, s2  }
0x88: {  	s14 =	sadd.s32 s5, s17;
	s13 =	sadd.s32 s13, s17;
	s6 =	sadd.s32 s26, s3  }
0x89: {  	s3 =	sadd.s32 s26, s14;
	s7 =	sshrl.u32 s7, $0x2;
	s2 =	sshrl.u32 s2, $0x2  }
0x8a: {  	s14 =	sadd.s32 $0xFFFFFC00, s24;
	s7 =	sadd.s32 s7, s17;
	s8 =	sadd.s32 s2, s17  }
0x8b: {  	[tilespmem:s27+$0x0 ss:$0x81] =	vst.msk $0xffff, v1;
	v1 =	vld.idx.msk [tilespmem:v0+s16+$0x20 ss:$0x1], $0xffff;
	s2 =	sadd.s32 s26, s7;
	s7 =	sadd.s32 s26, s13;
	s13 =	sand.u32 $0x3C00, s14  }
0x8c: {  	v2 =	vld.idx.msk [tilespmem:v0+s13+$0x70 ss:$0x1], $0xffff  }
0x8d: {  	v3 =	vld.idx.msk [tilespmem:v0+s13+$0x0 ss:$0x1], $0xffff  }
0x8e: {  	v4 =	vld.idx.msk [tilespmem:v0+s13+$0x10 ss:$0x1], $0xffff  }
0x8f: {  	v5 =	vld.idx.msk [tilespmem:v0+s13+$0x20 ss:$0x1], $0xffff  }
0x90: {  	v6 =	vld.idx.msk [tilespmem:v0+s13+$0x30 ss:$0x1], $0xffff  }
0x91: {  	v7 =	vld.idx.msk [tilespmem:v0+s13+$0x40 ss:$0x1], $0xffff;
	[tilespmem:s6+$0x0 ss:$0x81] =	vst.msk $0xffff, v2  }
0x92: {  	s1 =	smul.u32 $0x204, s1;
	v8 =	vld.idx.msk [tilespmem:v0+s13+$0x50 ss:$0x1], $0xffff;
	[tilespmem:s27+$0x0 ss:$0x81] =	vst.msk $0xffff, v3  }
0x93: {  	p2 =	sgt.s32 s20, $0x100;
	s4 =	smul.u32 $0x204, s4;
	v9 =	vld.idx.msk [tilespmem:v0+s13+$0x60 ss:$0x1], $0xffff;
	[tilespmem:s28+$0x0 ss:$0x81] =	vst.msk $0xffff, v4  }
.Ltmp7:
0x94: {  	v4 =	vld.idx.msk [tilespmem:v0+s16+$0x10 ss:$0x1], $0xffff;
	[tilespmem:s29+$0x0 ss:$0x81] =	vst.msk $0xffff, v5;
	(pc) =	sbr.rel @!p2 .LBB1_7-.Ltmp7, $4  }
0x95: {  	s1 =	sshrl.u32 s1, $0x2;
	s4 =	sshrl.u32 s4, $0x2;
	[tilespmem:s31+$0x0 ss:$0x81] =	vst.msk $0xffff, v6;
	v2 =	vld.idx.msk [tilespmem:v0+s16+$0x30 ss:$0x1], $0xffff  }
0x96: {  	s1 =	sadd.s32 s1, s17;
	s4 =	sadd.s32 s4, s17;
	[tilespmem:s30+$0x0 ss:$0x81] =	vst.msk $0xffff, v7;
	v3 =	vld.idx.msk [tilespmem:v0+s16+$0x40 ss:$0x1], $0xffff  }
0x97: {  	s1 =	sadd.s32 s26, s1;
	s5 =	sadd.s32 s26, s15;
	s4 =	sadd.s32 s26, s4;
	[tilespmem:s0+$0x0 ss:$0x81] =	vst.msk $0xffff, v8;
	v5 =	vld.idx.msk [tilespmem:v0+s16+$0x50 ss:$0x1], $0xffff  }
0x98: {  	s15 =	sadd.s32 s26, s8;
	s14 =	sadd.s32 $0x800, s24;
	s13 =	simm.s32 $0x100;
	[tilespmem:s1+$0x0 ss:$0x81] =	vst.msk $0xffff, v9;
	v6 =	vld.idx.msk [tilespmem:v0+s16+$0x60 ss:$0x1], $0xffff  }
.LBB1_6:
0x99: {  	s8 =	sadd.s32 $0xFFFFFC00, s14;
	s13 =	sadd.s32 $0x100, s13;
	[tilespmem:s5+$0x0 ss:$0x81] =	vst.msk $0xffff, v4;
	v4 =	vld.idx.msk [tilespmem:v0+s16+$0x70 ss:$0x1], $0xffff;
	s16 =	sand.u32 $0x3C00, s14  }
0x9a: {  	s8 =	sand.u32 $0x3C00, s8;
	v7 =	vld.idx.msk [tilespmem:v0+s16+$0x0 ss:$0x1], $0xffff;
	p2 =	slt.s32 s13, s20;
	[tilespmem:s3+$0x0 ss:$0x81] =	vst.msk $0xffff, v1  }
0x9b: {  	v1 =	vld.idx.msk [tilespmem:v0+s8+$0x70 ss:$0x1], $0xffff;
	[tilespmem:s4+$0x0 ss:$0x81] =	vst.msk $0xffff, v2  }
0x9c: {  	v2 =	vld.idx.msk [tilespmem:v0+s8+$0x0 ss:$0x1], $0xffff;
	[tilespmem:s30+$0x0 ss:$0x81] =	vst.msk $0xffff, v3  }
0x9d: {  	v3 =	vld.idx.msk [tilespmem:v0+s8+$0x10 ss:$0x1], $0xffff;
	[tilespmem:s2+$0x0 ss:$0x81] =	vst.msk $0xffff, v5  }
0x9e: {  	v5 =	vld.idx.msk [tilespmem:v0+s8+$0x20 ss:$0x1], $0xffff;
	[tilespmem:s7+$0x0 ss:$0x81] =	vst.msk $0xffff, v6  }
0x9f: {  	v6 =	vld.idx.msk [tilespmem:v0+s8+$0x30 ss:$0x1], $0xffff;
	[tilespmem:s15+$0x0 ss:$0x81] =	vst.msk $0xffff, v4  }
0xa0: {  	v8 =	vld.idx.msk [tilespmem:v0+s8+$0x40 ss:$0x1], $0xffff;
	[tilespmem:s27+$0x0 ss:$0x81] =	vst.msk $0xffff, v7  }
0xa1: {  	v7 =	vld.idx.msk [tilespmem:v0+s8+$0x50 ss:$0x1], $0xffff;
	[tilespmem:s6+$0x0 ss:$0x81] =	vst.msk $0xffff, v1  }
0xa2: {  	[tilespmem:s27+$0x0 ss:$0x81] =	vst.msk $0xffff, v2;
	v9 =	vld.idx.msk [tilespmem:v0+s8+$0x60 ss:$0x1], $0xffff  }
0xa3: {  	[tilespmem:s28+$0x0 ss:$0x81] =	vst.msk $0xffff, v3;
	v4 =	vld.idx.msk [tilespmem:v0+s16+$0x10 ss:$0x1], $0xffff  }
.Ltmp8:
0xa4: {  	[tilespmem:s29+$0x0 ss:$0x81] =	vst.msk $0xffff, v5;
	v1 =	vld.idx.msk [tilespmem:v0+s16+$0x20 ss:$0x1], $0xffff;
	(pc) =	sbr.rel @p2 .LBB1_6-.Ltmp8, $4  }
0xa5: {  	[tilespmem:s31+$0x0 ss:$0x81] =	vst.msk $0xffff, v6;
	v2 =	vld.idx.msk [tilespmem:v0+s16+$0x30 ss:$0x1], $0xffff  }
0xa6: {  	[tilespmem:s30+$0x0 ss:$0x81] =	vst.msk $0xffff, v8;
	v3 =	vld.idx.msk [tilespmem:v0+s16+$0x40 ss:$0x1], $0xffff  }
0xa7: {  	[tilespmem:s0+$0x0 ss:$0x81] =	vst.msk $0xffff, v7;
	v5 =	vld.idx.msk [tilespmem:v0+s16+$0x50 ss:$0x1], $0xffff  }
0xa8: {  	s14 =	sadd.s32 $0x800, s14;
	[tilespmem:s1+$0x0 ss:$0x81] =	vst.msk $0xffff, v9;
	v6 =	vld.idx.msk [tilespmem:v0+s16+$0x60 ss:$0x1], $0xffff  }
.LBB1_7:
0xa9: {  	_ =	sdelay $0x2  }
0xaa: {  	[tilespmem:s5+$0x0 ss:$0x81] =	vst.msk $0xffff, v4  }
0xab: {  	v0 =	vld.idx.msk [tilespmem:v0+s16+$0x70 ss:$0x1], $0xffff;
	[tilespmem:s3+$0x0 ss:$0x81] =	vst.msk $0xffff, v1  }
0xac: {  	[tilespmem:s4+$0x0 ss:$0x81] =	vst.msk $0xffff, v2  }
0xad: {  	[tilespmem:s30+$0x0 ss:$0x81] =	vst.msk $0xffff, v3  }
0xae: {  	[tilespmem:s2+$0x0 ss:$0x81] =	vst.msk $0xffff, v5  }
0xaf: {  	[tilespmem:s7+$0x0 ss:$0x81] =	vst.msk $0xffff, v6  }
0xb0: {  	[tilespmem:s15+$0x0 ss:$0x81] =	vst.msk $0xffff, v0  }
.LBB1_8:
.Ltmp9:
0xb1: {  	(pc) =	sbr.rel @p1 .LBB1_11-.Ltmp9, $1  }
0xb2: {  	_ =	sdelay $0x3  }
0xb3: {  	s1 =	sand.u32 $0x380, s25;
	s0 =	sshrl.u32 s23, $0x4;
	s2 =	sadd.s32 s26, s17  }
0xb4: {  	s3 =	smov.u32 s22;
	s4 =	smov.u32 s20;
	s1 =	sadd.s32 s1, s21  }
.LBB1_10:
0xb5: {  	s5 =	sand.u32 $0x3C00, s3  }
0xb6: {  	s5 =	sadd.s32 s25, s5  }
0xb7: {  	s5 =	sand.u32 $0x3C00, s5  }
0xb8: {  	s6 =	sand.u32 $0x70, s4;
	s30 =	sadd.s32 s4, s0;
	s5 =	sadd.s32 s5, s1  }
0xb9: {  	s4 =	sadd.s32 $0x10, s4;
	s31 =	sand.u32 $0x78, s30;
	s5 =	sadd.s32 s6, s5  }
0xba: {  	p2 =	slt.s32 s4, s19;
	v0 =	vld [tilespmem:s5+$0x0];
	s5 =	smul.u32 $0x204, s31  }
.Ltmp10:
0xbb: {  	_ = 	snop;
	(pc) =	sbr.rel @p2 .LBB1_10-.Ltmp10, $4  }
0xbc: {  	_ = 	snop  }
0xbd: {  	s5 =	sshrl.u32 s5, $0x2  }
0xbe: {  	s5 =	sadd.s32 s5, s2  }
0xbf: {  	s3 =	sadd.s32 $0x80, s3;
	[tilespmem:s5+$0x0 ss:$0x81] =	vst.msk $0xffff, v0  }
.Ltmp11:
0xc0: {  	_ = 	snop;
	(pc) =	sbr.rel .LBB1_11-.Ltmp11, $1  }
0xc1: {  	_ =	sdelay $0x3  }
.LBB1_14:
0xc2: {  	_ =	sfence.sel $0x180000  }
0xc3: {  	s0 =	simm.s32 $0x1;
	[bflag:$0x0] =	sbarrier.arrive $0xFFFF  }
0xc4: {  	s30 =	simm.s32 $0x2;
	[sflag:s0] =	ssyncpa.u1 $0x1  }
0xc5: {  	[sflag:s30] =	ssyncpa.u1 $0x1  }
0xc6: {  	_ =	strace $0x9000004A  }
0xc7: {  	s31 =	stileid.u32;
	[bflag:$0x2] =	sbarrier.arrive $0xFFFF  }
0xc8: {  	p0 =	sne.s32 s31, $0x0;
	s0 =	rddreg [dreg:$0x1]  }
0xc9: {  	s0 =	sadd.s32 @!p0 $0x100000, s0  }
0xca: {  	[sflag:s0] =	ssyncadd.tile.s32 @!p0 $0x1;
	_ =	shalt  }
.Lfunc_end1:
_tile_overlayer_lowered:
.L_overlay_start_2:
0xcb: {  	(tag) =	ssettag $0x2  }
0xcc: {  	s0 =	rddreg [dreg:$0x0];
	s2 =	stileid.u32  }
0xcd: {  	s1 =	rddreg [dreg:$0x1];
	p0 =	sne.s32 s2, $0x0  }
0xce: {  	s3 =	rddreg [dreg:$0x2];
	[bflag:$0x3] =	sbarrier.arrive $0xFFFF;
	s2 =	simm.s32 @!p0 $0x1C01  }
0xcf: {  	[timem:s3], [sflag:s2] =	dma.local @!p0 [hbm:s0], s1  }
0xd0: {  	s0 =	simm.s32 @!p0 $0x1  }
0xd1: {  	_ =	swait.ge @!p0 [sflag:s0], s1  }
0xd2: {  	s1 =	ssub.s32 @!p0 $0x0, s1;
	[sflag:s0] =	ssyncset.done @!p0 $0x0  }
0xd3: {  	[sflag:s0] =	ssyncadd.s32 @!p0 s1  }
0xd4: {  	[bflag:$0x3] =	sbarrier.arrive $0xFFFF  }
0xd5: {  	_ =	shalt  }

</sc_bundles>
